<compile_context>
chip_gen: v7x
topology: tpu7x:2x2x1
jax: 0.10.2.dev20260603
libtpu: 0.0.44.dev20260713+nightly
codegen_flags: <defaults>
</compile_context>

<pallas_src>
import functools

import jax
import jax.numpy as jnp
from jax import lax
from jax.experimental import pallas as pl
from jax.experimental.pallas import tpu as pltpu
from jax.experimental.pallas import tpu_sc as plsc

L = 16
NB = 8


def _build_sc_kernel(B, C, T, K, V):
    info = plsc.get_sparse_core_info()
    NC, NS = info.num_cores, info.num_subcores
    NW = NC * NS
    n_groups = (B * C * T // NB) // NW
    n_iters = n_groups // 2
    tg = T // NB
    w_per_b = NW // B
    c_per_w = C // w_per_b
    kc = K // L

    mesh = plsc.VectorSubcoreMesh(core_axis_name="c", subcore_axis_name="s")

    @functools.partial(
        pl.kernel,
        mesh=mesh,
        out_type=jax.ShapeDtypeStruct((B, C, T, V), jnp.float32),
        compiler_params=pltpu.CompilerParams(needs_layout_passes=False),
        scratch_types=[
            pltpu.VMEM((K,), jnp.int32),
            pltpu.VMEM((NB, K), jnp.float32),
            pltpu.VMEM((NB, K), jnp.float32),
            pltpu.VMEM((NB, V), jnp.float32),
            pltpu.VMEM((NB, V), jnp.float32),
            pltpu.SemaphoreType.DMA,
            pltpu.SemaphoreType.DMA,
            pltpu.SemaphoreType.DMA,
            pltpu.SemaphoreType.DMA,
        ],
    )
    def k(xp_hbm, idx_hbm, out_hbm, idxv, s0, s1, ob0, ob1, ss0, ss1, so0, so1):
        wid = lax.axis_index("s") * NC + lax.axis_index("c")
        b = wid // w_per_b
        c0 = (wid % w_per_b) * c_per_w

        pltpu.sync_copy(idx_hbm.at[b], idxv)

        def src_slice(g):
            c = c0 + g // tg
            t0 = (g % tg) * NB
            return xp_hbm.at[b, c, pl.ds(t0, NB), :]

        def out_slice(g):
            c = c0 + g // tg
            t0 = (g % tg) * NB
            return out_hbm.at[b, c, pl.ds(t0, NB), :]

        pltpu.async_copy(src_slice(0), s0, ss0)
        pltpu.async_copy(src_slice(1), s1, ss1)

        z = jnp.zeros((L,), jnp.float32)

        @plsc.parallel_loop(0, V // L, unroll=4)
        def _(it):
            col0 = it * L
            for j in range(NB):
                ob0[j, pl.ds(col0, L)] = z
                ob1[j, pl.ds(col0, L)] = z

        rowv = [jnp.full((L,), j, jnp.int32) for j in range(NB)]

        def do_group(g, it, sbuf, ssem, obuf, osem):
            pltpu.make_async_copy(src_slice(g), sbuf, ssem).wait()
            @pl.when(it >= 1)
            def _():
                pltpu.make_async_copy(obuf, out_slice(g), osem).wait()
            @plsc.parallel_loop(0, kc, unroll=8)
            def _(i):
                col = i * L
                iv = idxv[pl.ds(col, L)]
                for j in range(NB):
                    sv = sbuf[j, pl.ds(col, L)]
                    plsc.store_scatter(obuf, [rowv[j], iv], sv)
            pltpu.async_copy(obuf, out_slice(g), osem)
            @pl.when(it < n_iters - 1)
            def _():
                pltpu.async_copy(src_slice(g + 2), sbuf, ssem)

        def body(it, _):
            do_group(2 * it, it, s0, ss0, ob0, so0)
            do_group(2 * it + 1, it, s1, ss1, ob1, so1)
            return _

        lax.fori_loop(0, n_iters, body, None)

        pltpu.make_async_copy(ob0, out_slice(0), so0).wait()
        pltpu.make_async_copy(ob1, out_slice(1), so1).wait()

    return k


def kernel(X_pooled, X_original, A, idx):
    B, C, T, V = X_original.shape
    K = X_pooled.shape[3]
    idx32 = idx.astype(jnp.int32)
    return _build_sc_kernel(B, C, T, K, V)(X_pooled, idx32)

# --- scband reference (transcript-rebuilt; emitter-appended) ---
"""Pipeline reference for scband-top-kunpool-20847771254946 (READ-ONLY COPY).

The authoritative reference and input builder live on the scoring server;
editing this copy changes nothing except your own understanding.
"""

import jax, jax.numpy as jnp
import numpy as np

B, C, T, V, K = 4, 64, 32, 4096, 1024

def setup_inputs(seed: int = 0) -> dict:
    key = jax.random.key(seed)
    k1, k2 = jax.random.split(key)
    X_pooled = jax.random.normal(k1, (B, C, T, K), dtype=jnp.float32)
    X_original = jax.random.normal(k2, (B, C, T, V), dtype=jnp.float32)
    A = jnp.zeros((V, V), dtype=jnp.float32)
    # arange fill: values 0..B*K-1 reshaped to [B, K]; B*K == V so all indices
    # are in-range and unique within each row (deterministic scatter).
    idx = jnp.arange(B * K).reshape(B, K)
    return {"X_pooled": X_pooled, "X_original": X_original, "A": A, "idx": idx}

def reference(X_pooled, X_original, A, idx):
    Bb, Cc, Tt, Vv = X_original.shape
    Kk = X_pooled.shape[3]
    # torch: new_X = zeros_like(X_original).scatter(dim=3, index=idx_expanded, src=X_pooled)
    b = jnp.arange(Bb)[:, None, None, None]
    c = jnp.arange(Cc)[None, :, None, None]
    t = jnp.arange(Tt)[None, None, :, None]
    v = idx[:, None, None, :]  # broadcast over C and T like unsqueeze+expand
    new_X = jnp.zeros_like(X_original)
    new_X = new_X.at[b, c, t, v].set(X_pooled)
    return new_X

if __name__ == "__main__":
    import jax
    _d = setup_inputs()
    print(jax.jit(kernel)(*tuple(_d.values())))

</pallas_src>

<mosaic_0001>
#map = affine_map<(d0, d1) -> (0, 0, 0, 0)>
#map1 = affine_map<(d0, d1) -> (0, 0)>
module attributes {stable_mosaic.version = 14 : i64} {
  func.func @k(%arg0: i32, %arg1: i32, %arg2: memref<4x64x32x1024xf32, #tpu.memory_space<hbm>>, %arg3: memref<4x1024xi32, #tpu.memory_space<hbm>>, %arg4: memref<4x64x32x4096xf32, #tpu.memory_space<hbm>>, %arg5: memref<1024xi32, #tpu.memory_space<vmem>>, %arg6: memref<8x1024xf32, #tpu.memory_space<vmem>>, %arg7: memref<8x1024xf32, #tpu.memory_space<vmem>>, %arg8: memref<8x4096xf32, #tpu.memory_space<vmem>>, %arg9: memref<8x4096xf32, #tpu.memory_space<vmem>>, %arg10: memref<!tpu.dma_semaphore, #tpu.memory_space<semaphore_mem>>, %arg11: memref<!tpu.dma_semaphore, #tpu.memory_space<semaphore_mem>>, %arg12: memref<!tpu.dma_semaphore, #tpu.memory_space<semaphore_mem>>, %arg13: memref<!tpu.dma_semaphore, #tpu.memory_space<semaphore_mem>>) attributes {dimension_semantics = [#tpu.dimension_semantics<core_parallel>, #tpu.dimension_semantics<subcore_parallel>], iteration_bounds = array<i64: 2, 16>, scalar_prefetch = 0 : i64, scratch_operands = 9 : i64, tpu.core_type = #tpu.core_type<sc_vector_subcore>, window_params = [{transform_indices = #map}, {transform_indices = #map1}, {transform_indices = #map}]} {
    %mul3A = arith.constant 2 : i32
    %mul3A_0 = arith.muli %arg1, %mul3A : i32
    %add3A = arith.addi %mul3A_0, %arg0 : i32
    %jit3A = arith.constant 8 : i32
    %div3A = arith.divsi %add3A, %jit3A : i32
    %sign3A = arith.constant 0 : i32
    %sign3A_1 = arith.cmpi sgt, %add3A, %sign3A : i32
    %sign3A_2 = arith.extui %sign3A_1 : i1 to i32
    %sign3A_3 = arith.constant 0 : i32
    %sign3A_4 = arith.cmpi slt, %add3A, %sign3A_3 : i32
    %sign3A_5 = arith.extui %sign3A_4 : i1 to i32
    %sign3A_6 = arith.subi %sign3A_2, %sign3A_5 : i32
    %sign3A_7 = arith.constant 0 : i32
    %sign3A_8 = arith.cmpi sgt, %jit3A, %sign3A_7 : i32
    %sign3A_9 = arith.extui %sign3A_8 : i1 to i32
    %sign3A_10 = arith.constant 0 : i32
    %sign3A_11 = arith.cmpi slt, %jit3A, %sign3A_10 : i32
    %sign3A_12 = arith.extui %sign3A_11 : i1 to i32
    %sign3A_13 = arith.subi %sign3A_9, %sign3A_12 : i32
    %ne3A = arith.cmpi ne, %sign3A_6, %sign3A_13 : i32
    %rem3A = arith.remsi %add3A, %jit3A : i32
    %ne3A_14 = arith.constant 0 : i32
    %ne3A_15 = arith.cmpi ne, %rem3A, %ne3A_14 : i32
    %and3A = arith.andi %ne3A, %ne3A_15 : i1
    %sub3A = arith.constant 1 : i32
    %sub3A_16 = arith.subi %div3A, %sub3A : i32
    %select_n3A = arith.select %and3A, %sub3A_16, %div3A : i32
    %jit3A_17 = arith.constant 8 : i32
    %eq3A = arith.constant 0 : i32
    %eq3A_18 = arith.cmpi eq, %jit3A_17, %eq3A : i32
    %jit3A_19 = arith.constant 1 : i32
    %select_n3A_20 = arith.select %eq3A_18, %jit3A_19, %jit3A_17 : i32
    %rem3A_21 = arith.remsi %add3A, %select_n3A_20 : i32
    %ne3A_22 = arith.constant 0 : i32
    %ne3A_23 = arith.cmpi ne, %rem3A_21, %ne3A_22 : i32
    %lt3A = arith.constant 0 : i32
    %lt3A_24 = arith.cmpi slt, %rem3A_21, %lt3A : i32
    %lt3A_25 = arith.constant 0 : i32
    %lt3A_26 = arith.cmpi slt, %select_n3A_20, %lt3A_25 : i32
    %ne3A_27 = arith.xori %lt3A_24, %lt3A_26 : i1
    %and3A_28 = arith.andi %ne3A_27, %ne3A_23 : i1
    %add3A_29 = arith.addi %rem3A_21, %select_n3A_20 : i32
    %select_n3A_30 = arith.select %and3A_28, %add3A_29, %rem3A_21 : i32
    %mul3A_31 = arith.constant 8 : i32
    %mul3A_32 = arith.muli %select_n3A_30, %mul3A_31 : i32
    "tpu.region"() ({
      %run_scoped3A = tpu.sem_alloc : memref<!tpu.dma_semaphore, #tpu.memory_space<semaphore_mem>>
      %dma_start3A_94 = arith.constant 0 : i32
      %dma_start3A_95 = tpu.memref_slice %arg3[%select_n3A, %dma_start3A_94] : memref<4x1024xi32, #tpu.memory_space<hbm>> -> memref<1x1024xi32, #tpu.memory_space<hbm>>
      %dma_start3A_96 = tpu.memref_squeeze %dma_start3A_95 : memref<1x1024xi32, #tpu.memory_space<hbm>> -> memref<1024xi32, #tpu.memory_space<hbm>>
      %dma_start3A_97 = arith.constant 0 : i32
      %dma_start3A_98 = tpu.memref_slice %arg3[%select_n3A, %dma_start3A_97] : memref<4x1024xi32, #tpu.memory_space<hbm>> -> memref<1x1024xi32, #tpu.memory_space<hbm>>
      %dma_start3A_99 = tpu.memref_squeeze %dma_start3A_98 : memref<1x1024xi32, #tpu.memory_space<hbm>> -> memref<1024xi32, #tpu.memory_space<hbm>>
      tpu.enqueue_dma source(%dma_start3A_99 : memref<1024xi32, #tpu.memory_space<hbm>>) target(%arg5 : memref<1024xi32, #tpu.memory_space<vmem>>) target_semaphore(%run_scoped3A : memref<!tpu.dma_semaphore, #tpu.memory_space<semaphore_mem>>)
      %dma_wait3A_100 = arith.constant 0 : i32
      %dma_wait3A_101 = tpu.memref_slice %arg3[%select_n3A, %dma_wait3A_100] : memref<4x1024xi32, #tpu.memory_space<hbm>> -> memref<1x1024xi32, #tpu.memory_space<hbm>>
      %dma_wait3A_102 = tpu.memref_squeeze %dma_wait3A_101 : memref<1x1024xi32, #tpu.memory_space<hbm>> -> memref<1024xi32, #tpu.memory_space<hbm>>
      %dma_wait3A_103 = arith.constant 0 : i32
      %dma_wait3A_104 = tpu.memref_slice %arg3[%select_n3A, %dma_wait3A_103] : memref<4x1024xi32, #tpu.memory_space<hbm>> -> memref<1x1024xi32, #tpu.memory_space<hbm>>
      %dma_wait3A_105 = tpu.memref_squeeze %dma_wait3A_104 : memref<1x1024xi32, #tpu.memory_space<hbm>> -> memref<1024xi32, #tpu.memory_space<hbm>>
      tpu.wait_dma2 semaphore(%run_scoped3A : memref<!tpu.dma_semaphore, #tpu.memory_space<semaphore_mem>>) src(%dma_wait3A_105 : memref<1024xi32, #tpu.memory_space<hbm>>) dst(%arg5 : memref<1024xi32, #tpu.memory_space<vmem>>)
      tpu.yield
    }) : () -> ()
    %add3A_33 = arith.constant 0 : i32
    %add3A_34 = arith.addi %mul3A_32, %add3A_33 : i32
    %dma_start3A = arith.constant 0 : i32
    %dma_start3A_35 = arith.constant 0 : i32
    %dma_start3A_36 = tpu.memref_slice %arg2[%select_n3A, %add3A_34, %dma_start3A, %dma_start3A_35] : memref<4x64x32x1024xf32, #tpu.memory_space<hbm>> -> memref<1x1x8x1024xf32, #tpu.memory_space<hbm>>
    %dma_start3A_37 = tpu.memref_squeeze %dma_start3A_36 : memref<1x1x8x1024xf32, #tpu.memory_space<hbm>> -> memref<8x1024xf32, #tpu.memory_space<hbm>>
    %dma_start3A_38 = arith.constant 0 : i32
    %dma_start3A_39 = arith.constant 0 : i32
    %dma_start3A_40 = tpu.memref_slice %arg2[%select_n3A, %add3A_34, %dma_start3A_38, %dma_start3A_39] : memref<4x64x32x1024xf32, #tpu.memory_space<hbm>> -> memref<1x1x8x1024xf32, #tpu.memory_space<hbm>>
    %dma_start3A_41 = tpu.memref_squeeze %dma_start3A_40 : memref<1x1x8x1024xf32, #tpu.memory_space<hbm>> -> memref<8x1024xf32, #tpu.memory_space<hbm>>
    tpu.enqueue_dma source(%dma_start3A_41 : memref<8x1024xf32, #tpu.memory_space<hbm>>) target(%arg6 : memref<8x1024xf32, #tpu.memory_space<vmem>>) target_semaphore(%arg10 : memref<!tpu.dma_semaphore, #tpu.memory_space<semaphore_mem>>)
    %add3A_42 = arith.constant 0 : i32
    %add3A_43 = arith.addi %mul3A_32, %add3A_42 : i32
    %dma_start3A_44 = arith.constant 8 : i32
    %dma_start3A_45 = arith.constant 0 : i32
    %dma_start3A_46 = tpu.memref_slice %arg2[%select_n3A, %add3A_43, %dma_start3A_44, %dma_start3A_45] : memref<4x64x32x1024xf32, #tpu.memory_space<hbm>> -> memref<1x1x8x1024xf32, #tpu.memory_space<hbm>>
    %dma_start3A_47 = tpu.memref_squeeze %dma_start3A_46 : memref<1x1x8x1024xf32, #tpu.memory_space<hbm>> -> memref<8x1024xf32, #tpu.memory_space<hbm>>
    %dma_start3A_48 = arith.constant 8 : i32
    %dma_start3A_49 = arith.constant 0 : i32
    %dma_start3A_50 = tpu.memref_slice %arg2[%select_n3A, %add3A_43, %dma_start3A_48, %dma_start3A_49] : memref<4x64x32x1024xf32, #tpu.memory_space<hbm>> -> memref<1x1x8x1024xf32, #tpu.memory_space<hbm>>
    %dma_start3A_51 = tpu.memref_squeeze %dma_start3A_50 : memref<1x1x8x1024xf32, #tpu.memory_space<hbm>> -> memref<8x1024xf32, #tpu.memory_space<hbm>>
    tpu.enqueue_dma source(%dma_start3A_51 : memref<8x1024xf32, #tpu.memory_space<hbm>>) target(%arg7 : memref<8x1024xf32, #tpu.memory_space<vmem>>) target_semaphore(%arg11 : memref<!tpu.dma_semaphore, #tpu.memory_space<semaphore_mem>>)
    %broadcast_in_dim3A = arith.constant 0.000000e+00 : f32
    %broadcast_in_dim3A_52 = vector.broadcast %broadcast_in_dim3A : f32 to vector<16xf32>
    %parallel_loop3A = arith.constant 0 : i32
    %parallel_loop3A_53 = arith.constant 256 : i32
    %parallel_loop3A_54 = arith.constant 1 : i32
    scf.for %parallel_loop3A_94 = %parallel_loop3A to %parallel_loop3A_53 step %parallel_loop3A_54  : i32 {
      %parallel_loop3A_95 = arith.constant 16 : i32
      %parallel_loop3A_96 = arith.muli %parallel_loop3A_94, %parallel_loop3A_95 : i32
      %parallel_loop3A_97 = arith.constant 0 : i32
      %parallel_loop3A_98 = arith.index_cast %parallel_loop3A_97 : i32 to index
      %parallel_loop3A_99 = arith.index_cast %parallel_loop3A_96 : i32 to index
      %parallel_loop3A_100 = tpu.vector_load %arg8[%parallel_loop3A_98, %parallel_loop3A_99] {strides = array<i32>} : memref<8x4096xf32, #tpu.memory_space<vmem>>, vector<16xf32>,
      tpu.vector_store %arg8[%parallel_loop3A_98, %parallel_loop3A_99], %broadcast_in_dim3A_52 {strides = array<i32>} : memref<8x4096xf32, #tpu.memory_space<vmem>>, vector<16xf32>,
      %parallel_loop3A_101 = arith.constant 0 : i32
      %parallel_loop3A_102 = arith.index_cast %parallel_loop3A_101 : i32 to index
      %parallel_loop3A_103 = arith.index_cast %parallel_loop3A_96 : i32 to index
      %parallel_loop3A_104 = tpu.vector_load %arg9[%parallel_loop3A_102, %parallel_loop3A_103] {strides = array<i32>} : memref<8x4096xf32, #tpu.memory_space<vmem>>, vector<16xf32>,
      tpu.vector_store %arg9[%parallel_loop3A_102, %parallel_loop3A_103], %broadcast_in_dim3A_52 {strides = array<i32>} : memref<8x4096xf32, #tpu.memory_space<vmem>>, vector<16xf32>,
      %parallel_loop3A_105 = arith.constant 1 : i32
      %parallel_loop3A_106 = arith.index_cast %parallel_loop3A_105 : i32 to index
      %parallel_loop3A_107 = arith.index_cast %parallel_loop3A_96 : i32 to index
      %parallel_loop3A_108 = tpu.vector_load %arg8[%parallel_loop3A_106, %parallel_loop3A_107] {strides = array<i32>} : memref<8x4096xf32, #tpu.memory_space<vmem>>, vector<16xf32>,
      tpu.vector_store %arg8[%parallel_loop3A_106, %parallel_loop3A_107], %broadcast_in_dim3A_52 {strides = array<i32>} : memref<8x4096xf32, #tpu.memory_space<vmem>>, vector<16xf32>,
      %parallel_loop3A_109 = arith.constant 1 : i32
      %parallel_loop3A_110 = arith.index_cast %parallel_loop3A_109 : i32 to index
      %parallel_loop3A_111 = arith.index_cast %parallel_loop3A_96 : i32 to index
      %parallel_loop3A_112 = tpu.vector_load %arg9[%parallel_loop3A_110, %parallel_loop3A_111] {strides = array<i32>} : memref<8x4096xf32, #tpu.memory_space<vmem>>, vector<16xf32>,
      tpu.vector_store %arg9[%parallel_loop3A_110, %parallel_loop3A_111], %broadcast_in_dim3A_52 {strides = array<i32>} : memref<8x4096xf32, #tpu.memory_space<vmem>>, vector<16xf32>,
      %parallel_loop3A_113 = arith.constant 2 : i32
      %parallel_loop3A_114 = arith.index_cast %parallel_loop3A_113 : i32 to index
      %parallel_loop3A_115 = arith.index_cast %parallel_loop3A_96 : i32 to index
      %parallel_loop3A_116 = tpu.vector_load %arg8[%parallel_loop3A_114, %parallel_loop3A_115] {strides = array<i32>} : memref<8x4096xf32, #tpu.memory_space<vmem>>, vector<16xf32>,
      tpu.vector_store %arg8[%parallel_loop3A_114, %parallel_loop3A_115], %broadcast_in_dim3A_52 {strides = array<i32>} : memref<8x4096xf32, #tpu.memory_space<vmem>>, vector<16xf32>,
      %parallel_loop3A_117 = arith.constant 2 : i32
      %parallel_loop3A_118 = arith.index_cast %parallel_loop3A_117 : i32 to index
      %parallel_loop3A_119 = arith.index_cast %parallel_loop3A_96 : i32 to index
      %parallel_loop3A_120 = tpu.vector_load %arg9[%parallel_loop3A_118, %parallel_loop3A_119] {strides = array<i32>} : memref<8x4096xf32, #tpu.memory_space<vmem>>, vector<16xf32>,
      tpu.vector_store %arg9[%parallel_loop3A_118, %parallel_loop3A_119], %broadcast_in_dim3A_52 {strides = array<i32>} : memref<8x4096xf32, #tpu.memory_space<vmem>>, vector<16xf32>,
      %parallel_loop3A_121 = arith.constant 3 : i32
      %parallel_loop3A_122 = arith.index_cast %parallel_loop3A_121 : i32 to index
      %parallel_loop3A_123 = arith.index_cast %parallel_loop3A_96 : i32 to index
      %parallel_loop3A_124 = tpu.vector_load %arg8[%parallel_loop3A_122, %parallel_loop3A_123] {strides = array<i32>} : memref<8x4096xf32, #tpu.memory_space<vmem>>, vector<16xf32>,
      tpu.vector_store %arg8[%parallel_loop3A_122, %parallel_loop3A_123], %broadcast_in_dim3A_52 {strides = array<i32>} : memref<8x4096xf32, #tpu.memory_space<vmem>>, vector<16xf32>,
      %parallel_loop3A_125 = arith.constant 3 : i32
      %parallel_loop3A_126 = arith.index_cast %parallel_loop3A_125 : i32 to index
      %parallel_loop3A_127 = arith.index_cast %parallel_loop3A_96 : i32 to index
      %parallel_loop3A_128 = tpu.vector_load %arg9[%parallel_loop3A_126, %parallel_loop3A_127] {strides = array<i32>} : memref<8x4096xf32, #tpu.memory_space<vmem>>, vector<16xf32>,
      tpu.vector_store %arg9[%parallel_loop3A_126, %parallel_loop3A_127], %broadcast_in_dim3A_52 {strides = array<i32>} : memref<8x4096xf32, #tpu.memory_space<vmem>>, vector<16xf32>,
      %parallel_loop3A_129 = arith.constant 4 : i32
      %parallel_loop3A_130 = arith.index_cast %parallel_loop3A_129 : i32 to index
      %parallel_loop3A_131 = arith.index_cast %parallel_loop3A_96 : i32 to index
      %parallel_loop3A_132 = tpu.vector_load %arg8[%parallel_loop3A_130, %parallel_loop3A_131] {strides = array<i32>} : memref<8x4096xf32, #tpu.memory_space<vmem>>, vector<16xf32>,
      tpu.vector_store %arg8[%parallel_loop3A_130, %parallel_loop3A_131], %broadcast_in_dim3A_52 {strides = array<i32>} : memref<8x4096xf32, #tpu.memory_space<vmem>>, vector<16xf32>,
      %parallel_loop3A_133 = arith.constant 4 : i32
      %parallel_loop3A_134 = arith.index_cast %parallel_loop3A_133 : i32 to index
      %parallel_loop3A_135 = arith.index_cast %parallel_loop3A_96 : i32 to index
      %parallel_loop3A_136 = tpu.vector_load %arg9[%parallel_loop3A_134, %parallel_loop3A_135] {strides = array<i32>} : memref<8x4096xf32, #tpu.memory_space<vmem>>, vector<16xf32>,
      tpu.vector_store %arg9[%parallel_loop3A_134, %parallel_loop3A_135], %broadcast_in_dim3A_52 {strides = array<i32>} : memref<8x4096xf32, #tpu.memory_space<vmem>>, vector<16xf32>,
      %parallel_loop3A_137 = arith.constant 5 : i32
      %parallel_loop3A_138 = arith.index_cast %parallel_loop3A_137 : i32 to index
      %parallel_loop3A_139 = arith.index_cast %parallel_loop3A_96 : i32 to index
      %parallel_loop3A_140 = tpu.vector_load %arg8[%parallel_loop3A_138, %parallel_loop3A_139] {strides = array<i32>} : memref<8x4096xf32, #tpu.memory_space<vmem>>, vector<16xf32>,
      tpu.vector_store %arg8[%parallel_loop3A_138, %parallel_loop3A_139], %broadcast_in_dim3A_52 {strides = array<i32>} : memref<8x4096xf32, #tpu.memory_space<vmem>>, vector<16xf32>,
      %parallel_loop3A_141 = arith.constant 5 : i32
      %parallel_loop3A_142 = arith.index_cast %parallel_loop3A_141 : i32 to index
      %parallel_loop3A_143 = arith.index_cast %parallel_loop3A_96 : i32 to index
      %parallel_loop3A_144 = tpu.vector_load %arg9[%parallel_loop3A_142, %parallel_loop3A_143] {strides = array<i32>} : memref<8x4096xf32, #tpu.memory_space<vmem>>, vector<16xf32>,
      tpu.vector_store %arg9[%parallel_loop3A_142, %parallel_loop3A_143], %broadcast_in_dim3A_52 {strides = array<i32>} : memref<8x4096xf32, #tpu.memory_space<vmem>>, vector<16xf32>,
      %parallel_loop3A_145 = arith.constant 6 : i32
      %parallel_loop3A_146 = arith.index_cast %parallel_loop3A_145 : i32 to index
      %parallel_loop3A_147 = arith.index_cast %parallel_loop3A_96 : i32 to index
      %parallel_loop3A_148 = tpu.vector_load %arg8[%parallel_loop3A_146, %parallel_loop3A_147] {strides = array<i32>} : memref<8x4096xf32, #tpu.memory_space<vmem>>, vector<16xf32>,
      tpu.vector_store %arg8[%parallel_loop3A_146, %parallel_loop3A_147], %broadcast_in_dim3A_52 {strides = array<i32>} : memref<8x4096xf32, #tpu.memory_space<vmem>>, vector<16xf32>,
      %parallel_loop3A_149 = arith.constant 6 : i32
      %parallel_loop3A_150 = arith.index_cast %parallel_loop3A_149 : i32 to index
      %parallel_loop3A_151 = arith.index_cast %parallel_loop3A_96 : i32 to index
      %parallel_loop3A_152 = tpu.vector_load %arg9[%parallel_loop3A_150, %parallel_loop3A_151] {strides = array<i32>} : memref<8x4096xf32, #tpu.memory_space<vmem>>, vector<16xf32>,
      tpu.vector_store %arg9[%parallel_loop3A_150, %parallel_loop3A_151], %broadcast_in_dim3A_52 {strides = array<i32>} : memref<8x4096xf32, #tpu.memory_space<vmem>>, vector<16xf32>,
      %parallel_loop3A_153 = arith.constant 7 : i32
      %parallel_loop3A_154 = arith.index_cast %parallel_loop3A_153 : i32 to index
      %parallel_loop3A_155 = arith.index_cast %parallel_loop3A_96 : i32 to index
      %parallel_loop3A_156 = tpu.vector_load %arg8[%parallel_loop3A_154, %parallel_loop3A_155] {strides = array<i32>} : memref<8x4096xf32, #tpu.memory_space<vmem>>, vector<16xf32>,
      tpu.vector_store %arg8[%parallel_loop3A_154, %parallel_loop3A_155], %broadcast_in_dim3A_52 {strides = array<i32>} : memref<8x4096xf32, #tpu.memory_space<vmem>>, vector<16xf32>,
      %parallel_loop3A_157 = arith.constant 7 : i32
      %parallel_loop3A_158 = arith.index_cast %parallel_loop3A_157 : i32 to index
      %parallel_loop3A_159 = arith.index_cast %parallel_loop3A_96 : i32 to index
      %parallel_loop3A_160 = tpu.vector_load %arg9[%parallel_loop3A_158, %parallel_loop3A_159] {strides = array<i32>} : memref<8x4096xf32, #tpu.memory_space<vmem>>, vector<16xf32>,
      tpu.vector_store %arg9[%parallel_loop3A_158, %parallel_loop3A_159], %broadcast_in_dim3A_52 {strides = array<i32>} : memref<8x4096xf32, #tpu.memory_space<vmem>>, vector<16xf32>,
    } {sc.loop_unroll_factor = 4 : i64, sc.parallel_access}
    %broadcast_in_dim3A_55 = arith.constant 0 : i32
    %broadcast_in_dim3A_56 = vector.broadcast %broadcast_in_dim3A_55 : i32 to vector<16xi32>
    %broadcast_in_dim3A_57 = arith.constant 1 : i32
    %broadcast_in_dim3A_58 = vector.broadcast %broadcast_in_dim3A_57 : i32 to vector<16xi32>
    %broadcast_in_dim3A_59 = arith.constant 2 : i32
    %broadcast_in_dim3A_60 = vector.broadcast %broadcast_in_dim3A_59 : i32 to vector<16xi32>
    %broadcast_in_dim3A_61 = arith.constant 3 : i32
    %broadcast_in_dim3A_62 = vector.broadcast %broadcast_in_dim3A_61 : i32 to vector<16xi32>
    %broadcast_in_dim3A_63 = arith.constant 4 : i32
    %broadcast_in_dim3A_64 = vector.broadcast %broadcast_in_dim3A_63 : i32 to vector<16xi32>
    %broadcast_in_dim3A_65 = arith.constant 5 : i32
    %broadcast_in_dim3A_66 = vector.broadcast %broadcast_in_dim3A_65 : i32 to vector<16xi32>
    %broadcast_in_dim3A_67 = arith.constant 6 : i32
    %broadcast_in_dim3A_68 = vector.broadcast %broadcast_in_dim3A_67 : i32 to vector<16xi32>
    %broadcast_in_dim3A_69 = arith.constant 7 : i32
    %broadcast_in_dim3A_70 = vector.broadcast %broadcast_in_dim3A_69 : i32 to vector<16xi32>
    %scan3A = arith.constant 0 : i32
    %scan3A_71 = arith.constant 16 : i32
    %scan3A_72 = arith.addi %scan3A, %scan3A_71 : i32
    %scan3A_73 = arith.constant 1 : i32
    scf.for %scan3A_94 = %scan3A to %scan3A_72 step %scan3A_73  : i32 {
      %mul3A_95 = arith.constant 2 : i32
      %mul3A_96 = arith.muli %mul3A_95, %scan3A_94 : i32
      %jit3A_97 = arith.constant 4 : i32
      %div3A_98 = arith.divsi %mul3A_96, %jit3A_97 : i32
      %sign3A_99 = arith.constant 0 : i32
      %sign3A_100 = arith.cmpi sgt, %mul3A_96, %sign3A_99 : i32
      %sign3A_101 = arith.extui %sign3A_100 : i1 to i32
      %sign3A_102 = arith.constant 0 : i32
      %sign3A_103 = arith.cmpi slt, %mul3A_96, %sign3A_102 : i32
      %sign3A_104 = arith.extui %sign3A_103 : i1 to i32
      %sign3A_105 = arith.subi %sign3A_101, %sign3A_104 : i32
      %sign3A_106 = arith.constant 0 : i32
      %sign3A_107 = arith.cmpi sgt, %jit3A_97, %sign3A_106 : i32
      %sign3A_108 = arith.extui %sign3A_107 : i1 to i32
      %sign3A_109 = arith.constant 0 : i32
      %sign3A_110 = arith.cmpi slt, %jit3A_97, %sign3A_109 : i32
      %sign3A_111 = arith.extui %sign3A_110 : i1 to i32
      %sign3A_112 = arith.subi %sign3A_108, %sign3A_111 : i32
      %ne3A_113 = arith.cmpi ne, %sign3A_105, %sign3A_112 : i32
      %rem3A_114 = arith.remsi %mul3A_96, %jit3A_97 : i32
      %ne3A_115 = arith.constant 0 : i32
      %ne3A_116 = arith.cmpi ne, %rem3A_114, %ne3A_115 : i32
      %and3A_117 = arith.andi %ne3A_113, %ne3A_116 : i1
      %sub3A_118 = arith.constant 1 : i32
      %sub3A_119 = arith.subi %div3A_98, %sub3A_118 : i32
      %select_n3A_120 = arith.select %and3A_117, %sub3A_119, %div3A_98 : i32
      %add3A_121 = arith.addi %mul3A_32, %select_n3A_120 : i32
      %jit3A_122 = arith.constant 4 : i32
      %eq3A_123 = arith.constant 0 : i32
      %eq3A_124 = arith.cmpi eq, %jit3A_122, %eq3A_123 : i32
      %jit3A_125 = arith.constant 1 : i32
      %select_n3A_126 = arith.select %eq3A_124, %jit3A_125, %jit3A_122 : i32
      %rem3A_127 = arith.remsi %mul3A_96, %select_n3A_126 : i32
      %ne3A_128 = arith.constant 0 : i32
      %ne3A_129 = arith.cmpi ne, %rem3A_127, %ne3A_128 : i32
      %lt3A_130 = arith.constant 0 : i32
      %lt3A_131 = arith.cmpi slt, %rem3A_127, %lt3A_130 : i32
      %lt3A_132 = arith.constant 0 : i32
      %lt3A_133 = arith.cmpi slt, %select_n3A_126, %lt3A_132 : i32
      %ne3A_134 = arith.xori %lt3A_131, %lt3A_133 : i1
      %and3A_135 = arith.andi %ne3A_134, %ne3A_129 : i1
      %add3A_136 = arith.addi %rem3A_127, %select_n3A_126 : i32
      %select_n3A_137 = arith.select %and3A_135, %add3A_136, %rem3A_127 : i32
      %mul3A_138 = arith.constant 8 : i32
      %mul3A_139 = arith.muli %select_n3A_137, %mul3A_138 : i32
      %dma_wait3A_140 = arith.constant 0 : i32
      %dma_wait3A_141 = tpu.memref_slice %arg2[%select_n3A, %add3A_121, %mul3A_139, %dma_wait3A_140] : memref<4x64x32x1024xf32, #tpu.memory_space<hbm>> -> memref<1x1x8x1024xf32, #tpu.memory_space<hbm>>
      %dma_wait3A_142 = tpu.memref_squeeze %dma_wait3A_141 : memref<1x1x8x1024xf32, #tpu.memory_space<hbm>> -> memref<8x1024xf32, #tpu.memory_space<hbm>>
      %dma_wait3A_143 = arith.constant 0 : i32
      %dma_wait3A_144 = tpu.memref_slice %arg2[%select_n3A, %add3A_121, %mul3A_139, %dma_wait3A_143] : memref<4x64x32x1024xf32, #tpu.memory_space<hbm>> -> memref<1x1x8x1024xf32, #tpu.memory_space<hbm>>
      %dma_wait3A_145 = tpu.memref_squeeze %dma_wait3A_144 : memref<1x1x8x1024xf32, #tpu.memory_space<hbm>> -> memref<8x1024xf32, #tpu.memory_space<hbm>>
      tpu.wait_dma2 semaphore(%arg10 : memref<!tpu.dma_semaphore, #tpu.memory_space<semaphore_mem>>) src(%dma_wait3A_145 : memref<8x1024xf32, #tpu.memory_space<hbm>>) dst(%arg6 : memref<8x1024xf32, #tpu.memory_space<vmem>>)
      %ge3A = arith.constant 1 : i32
      %ge3A_146 = arith.cmpi sge, %scan3A_94, %ge3A : i32
      %convert_element_type3A = arith.extui %ge3A_146 : i1 to i32
      %cond3A = arith.constant 0 : i32
      %cond3A_147 = arith.cmpi ne, %convert_element_type3A, %cond3A : i32
      scf.if %cond3A_147 {
        %jit3A_320 = arith.constant 4 : i32
        %div3A_321 = arith.divsi %mul3A_96, %jit3A_320 : i32
        %sign3A_322 = arith.constant 0 : i32
        %sign3A_323 = arith.cmpi sgt, %mul3A_96, %sign3A_322 : i32
        %sign3A_324 = arith.extui %sign3A_323 : i1 to i32
        %sign3A_325 = arith.constant 0 : i32
        %sign3A_326 = arith.cmpi slt, %mul3A_96, %sign3A_325 : i32
        %sign3A_327 = arith.extui %sign3A_326 : i1 to i32
        %sign3A_328 = arith.subi %sign3A_324, %sign3A_327 : i32
        %sign3A_329 = arith.constant 0 : i32
        %sign3A_330 = arith.cmpi sgt, %jit3A_320, %sign3A_329 : i32
        %sign3A_331 = arith.extui %sign3A_330 : i1 to i32
        %sign3A_332 = arith.constant 0 : i32
        %sign3A_333 = arith.cmpi slt, %jit3A_320, %sign3A_332 : i32
        %sign3A_334 = arith.extui %sign3A_333 : i1 to i32
        %sign3A_335 = arith.subi %sign3A_331, %sign3A_334 : i32
        %ne3A_336 = arith.cmpi ne, %sign3A_328, %sign3A_335 : i32
        %rem3A_337 = arith.remsi %mul3A_96, %jit3A_320 : i32
        %ne3A_338 = arith.constant 0 : i32
        %ne3A_339 = arith.cmpi ne, %rem3A_337, %ne3A_338 : i32
        %and3A_340 = arith.andi %ne3A_336, %ne3A_339 : i1
        %sub3A_341 = arith.constant 1 : i32
        %sub3A_342 = arith.subi %div3A_321, %sub3A_341 : i32
        %select_n3A_343 = arith.select %and3A_340, %sub3A_342, %div3A_321 : i32
        %add3A_344 = arith.addi %mul3A_32, %select_n3A_343 : i32
        %jit3A_345 = arith.constant 4 : i32
        %eq3A_346 = arith.constant 0 : i32
        %eq3A_347 = arith.cmpi eq, %jit3A_345, %eq3A_346 : i32
        %jit3A_348 = arith.constant 1 : i32
        %select_n3A_349 = arith.select %eq3A_347, %jit3A_348, %jit3A_345 : i32
        %rem3A_350 = arith.remsi %mul3A_96, %select_n3A_349 : i32
        %ne3A_351 = arith.constant 0 : i32
        %ne3A_352 = arith.cmpi ne, %rem3A_350, %ne3A_351 : i32
        %lt3A_353 = arith.constant 0 : i32
        %lt3A_354 = arith.cmpi slt, %rem3A_350, %lt3A_353 : i32
        %lt3A_355 = arith.constant 0 : i32
        %lt3A_356 = arith.cmpi slt, %select_n3A_349, %lt3A_355 : i32
        %ne3A_357 = arith.xori %lt3A_354, %lt3A_356 : i1
        %and3A_358 = arith.andi %ne3A_357, %ne3A_352 : i1
        %add3A_359 = arith.addi %rem3A_350, %select_n3A_349 : i32
        %select_n3A_360 = arith.select %and3A_358, %add3A_359, %rem3A_350 : i32
        %mul3A_361 = arith.constant 8 : i32
        %mul3A_362 = arith.muli %select_n3A_360, %mul3A_361 : i32
        %dma_wait3A_363 = arith.constant 0 : i32
        %dma_wait3A_364 = tpu.memref_slice %arg4[%select_n3A, %add3A_344, %mul3A_362, %dma_wait3A_363] : memref<4x64x32x4096xf32, #tpu.memory_space<hbm>> -> memref<1x1x8x4096xf32, #tpu.memory_space<hbm>>
        %dma_wait3A_365 = tpu.memref_squeeze %dma_wait3A_364 : memref<1x1x8x4096xf32, #tpu.memory_space<hbm>> -> memref<8x4096xf32, #tpu.memory_space<hbm>>
        %dma_wait3A_366 = arith.constant 0 : i32
        %dma_wait3A_367 = tpu.memref_slice %arg4[%select_n3A, %add3A_344, %mul3A_362, %dma_wait3A_366] : memref<4x64x32x4096xf32, #tpu.memory_space<hbm>> -> memref<1x1x8x4096xf32, #tpu.memory_space<hbm>>
        %dma_wait3A_368 = tpu.memref_squeeze %dma_wait3A_367 : memref<1x1x8x4096xf32, #tpu.memory_space<hbm>> -> memref<8x4096xf32, #tpu.memory_space<hbm>>
        tpu.wait_dma2 semaphore(%arg12 : memref<!tpu.dma_semaphore, #tpu.memory_space<semaphore_mem>>) src(%arg8 : memref<8x4096xf32, #tpu.memory_space<vmem>>) dst(%dma_wait3A_368 : memref<8x4096xf32, #tpu.memory_space<hbm>>)
      } else {
      }
      %parallel_loop3A_148 = arith.constant 0 : i32
      %parallel_loop3A_149 = arith.constant 64 : i32
      %parallel_loop3A_150 = arith.constant 1 : i32
      scf.for %parallel_loop3A_320 = %parallel_loop3A_148 to %parallel_loop3A_149 step %parallel_loop3A_150  : i32 {
        %parallel_loop3A_321 = arith.constant 16 : i32
        %parallel_loop3A_322 = arith.muli %parallel_loop3A_320, %parallel_loop3A_321 : i32
        %parallel_loop3A_323 = arith.index_cast %parallel_loop3A_322 : i32 to index
        %parallel_loop3A_324 = tpu.vector_load %arg5[%parallel_loop3A_323] {strides = array<i32>} : memref<1024xi32, #tpu.memory_space<vmem>>, vector<16xi32>,
        %parallel_loop3A_325 = arith.constant 0 : i32
        %parallel_loop3A_326 = arith.index_cast %parallel_loop3A_325 : i32 to index
        %parallel_loop3A_327 = arith.index_cast %parallel_loop3A_322 : i32 to index
        %parallel_loop3A_328 = tpu.vector_load %arg6[%parallel_loop3A_326, %parallel_loop3A_327] {strides = array<i32>} : memref<8x1024xf32, #tpu.memory_space<vmem>>, vector<16xf32>,
        tpu.vector_store_idx %arg8[%broadcast_in_dim3A_56, %parallel_loop3A_324], %parallel_loop3A_328 : memref<8x4096xf32, #tpu.memory_space<vmem>>[vector<16xi32>, vector<16xi32>], vector<16xf32>,
        %parallel_loop3A_329 = arith.constant 1 : i32
        %parallel_loop3A_330 = arith.index_cast %parallel_loop3A_329 : i32 to index
        %parallel_loop3A_331 = arith.index_cast %parallel_loop3A_322 : i32 to index
        %parallel_loop3A_332 = tpu.vector_load %arg6[%parallel_loop3A_330, %parallel_loop3A_331] {strides = array<i32>} : memref<8x1024xf32, #tpu.memory_space<vmem>>, vector<16xf32>,
        tpu.vector_store_idx %arg8[%broadcast_in_dim3A_58, %parallel_loop3A_324], %parallel_loop3A_332 : memref<8x4096xf32, #tpu.memory_space<vmem>>[vector<16xi32>, vector<16xi32>], vector<16xf32>,
        %parallel_loop3A_333 = arith.constant 2 : i32
        %parallel_loop3A_334 = arith.index_cast %parallel_loop3A_333 : i32 to index
        %parallel_loop3A_335 = arith.index_cast %parallel_loop3A_322 : i32 to index
        %parallel_loop3A_336 = tpu.vector_load %arg6[%parallel_loop3A_334, %parallel_loop3A_335] {strides = array<i32>} : memref<8x1024xf32, #tpu.memory_space<vmem>>, vector<16xf32>,
        tpu.vector_store_idx %arg8[%broadcast_in_dim3A_60, %parallel_loop3A_324], %parallel_loop3A_336 : memref<8x4096xf32, #tpu.memory_space<vmem>>[vector<16xi32>, vector<16xi32>], vector<16xf32>,
        %parallel_loop3A_337 = arith.constant 3 : i32
        %parallel_loop3A_338 = arith.index_cast %parallel_loop3A_337 : i32 to index
        %parallel_loop3A_339 = arith.index_cast %parallel_loop3A_322 : i32 to index
        %parallel_loop3A_340 = tpu.vector_load %arg6[%parallel_loop3A_338, %parallel_loop3A_339] {strides = array<i32>} : memref<8x1024xf32, #tpu.memory_space<vmem>>, vector<16xf32>,
        tpu.vector_store_idx %arg8[%broadcast_in_dim3A_62, %parallel_loop3A_324], %parallel_loop3A_340 : memref<8x4096xf32, #tpu.memory_space<vmem>>[vector<16xi32>, vector<16xi32>], vector<16xf32>,
        %parallel_loop3A_341 = arith.constant 4 : i32
        %parallel_loop3A_342 = arith.index_cast %parallel_loop3A_341 : i32 to index
        %parallel_loop3A_343 = arith.index_cast %parallel_loop3A_322 : i32 to index
        %parallel_loop3A_344 = tpu.vector_load %arg6[%parallel_loop3A_342, %parallel_loop3A_343] {strides = array<i32>} : memref<8x1024xf32, #tpu.memory_space<vmem>>, vector<16xf32>,
        tpu.vector_store_idx %arg8[%broadcast_in_dim3A_64, %parallel_loop3A_324], %parallel_loop3A_344 : memref<8x4096xf32, #tpu.memory_space<vmem>>[vector<16xi32>, vector<16xi32>], vector<16xf32>,
        %parallel_loop3A_345 = arith.constant 5 : i32
        %parallel_loop3A_346 = arith.index_cast %parallel_loop3A_345 : i32 to index
        %parallel_loop3A_347 = arith.index_cast %parallel_loop3A_322 : i32 to index
        %parallel_loop3A_348 = tpu.vector_load %arg6[%parallel_loop3A_346, %parallel_loop3A_347] {strides = array<i32>} : memref<8x1024xf32, #tpu.memory_space<vmem>>, vector<16xf32>,
        tpu.vector_store_idx %arg8[%broadcast_in_dim3A_66, %parallel_loop3A_324], %parallel_loop3A_348 : memref<8x4096xf32, #tpu.memory_space<vmem>>[vector<16xi32>, vector<16xi32>], vector<16xf32>,
        %parallel_loop3A_349 = arith.constant 6 : i32
        %parallel_loop3A_350 = arith.index_cast %parallel_loop3A_349 : i32 to index
        %parallel_loop3A_351 = arith.index_cast %parallel_loop3A_322 : i32 to index
        %parallel_loop3A_352 = tpu.vector_load %arg6[%parallel_loop3A_350, %parallel_loop3A_351] {strides = array<i32>} : memref<8x1024xf32, #tpu.memory_space<vmem>>, vector<16xf32>,
        tpu.vector_store_idx %arg8[%broadcast_in_dim3A_68, %parallel_loop3A_324], %parallel_loop3A_352 : memref<8x4096xf32, #tpu.memory_space<vmem>>[vector<16xi32>, vector<16xi32>], vector<16xf32>,
        %parallel_loop3A_353 = arith.constant 7 : i32
        %parallel_loop3A_354 = arith.index_cast %parallel_loop3A_353 : i32 to index
        %parallel_loop3A_355 = arith.index_cast %parallel_loop3A_322 : i32 to index
        %parallel_loop3A_356 = tpu.vector_load %arg6[%parallel_loop3A_354, %parallel_loop3A_355] {strides = array<i32>} : memref<8x1024xf32, #tpu.memory_space<vmem>>, vector<16xf32>,
        tpu.vector_store_idx %arg8[%broadcast_in_dim3A_70, %parallel_loop3A_324], %parallel_loop3A_356 : memref<8x4096xf32, #tpu.memory_space<vmem>>[vector<16xi32>, vector<16xi32>], vector<16xf32>,
      } {sc.loop_unroll_factor = 8 : i64, sc.parallel_access}
      %jit3A_151 = arith.constant 4 : i32
      %div3A_152 = arith.divsi %mul3A_96, %jit3A_151 : i32
      %sign3A_153 = arith.constant 0 : i32
      %sign3A_154 = arith.cmpi sgt, %mul3A_96, %sign3A_153 : i32
      %sign3A_155 = arith.extui %sign3A_154 : i1 to i32
      %sign3A_156 = arith.constant 0 : i32
      %sign3A_157 = arith.cmpi slt, %mul3A_96, %sign3A_156 : i32
      %sign3A_158 = arith.extui %sign3A_157 : i1 to i32
      %sign3A_159 = arith.subi %sign3A_155, %sign3A_158 : i32
      %sign3A_160 = arith.constant 0 : i32
      %sign3A_161 = arith.cmpi sgt, %jit3A_151, %sign3A_160 : i32
      %sign3A_162 = arith.extui %sign3A_161 : i1 to i32
      %sign3A_163 = arith.constant 0 : i32
      %sign3A_164 = arith.cmpi slt, %jit3A_151, %sign3A_163 : i32
      %sign3A_165 = arith.extui %sign3A_164 : i1 to i32
      %sign3A_166 = arith.subi %sign3A_162, %sign3A_165 : i32
      %ne3A_167 = arith.cmpi ne, %sign3A_159, %sign3A_166 : i32
      %rem3A_168 = arith.remsi %mul3A_96, %jit3A_151 : i32
      %ne3A_169 = arith.constant 0 : i32
      %ne3A_170 = arith.cmpi ne, %rem3A_168, %ne3A_169 : i32
      %and3A_171 = arith.andi %ne3A_167, %ne3A_170 : i1
      %sub3A_172 = arith.constant 1 : i32
      %sub3A_173 = arith.subi %div3A_152, %sub3A_172 : i32
      %select_n3A_174 = arith.select %and3A_171, %sub3A_173, %div3A_152 : i32
      %add3A_175 = arith.addi %mul3A_32, %select_n3A_174 : i32
      %jit3A_176 = arith.constant 4 : i32
      %eq3A_177 = arith.constant 0 : i32
      %eq3A_178 = arith.cmpi eq, %jit3A_176, %eq3A_177 : i32
      %jit3A_179 = arith.constant 1 : i32
      %select_n3A_180 = arith.select %eq3A_178, %jit3A_179, %jit3A_176 : i32
      %rem3A_181 = arith.remsi %mul3A_96, %select_n3A_180 : i32
      %ne3A_182 = arith.constant 0 : i32
      %ne3A_183 = arith.cmpi ne, %rem3A_181, %ne3A_182 : i32
      %lt3A_184 = arith.constant 0 : i32
      %lt3A_185 = arith.cmpi slt, %rem3A_181, %lt3A_184 : i32
      %lt3A_186 = arith.constant 0 : i32
      %lt3A_187 = arith.cmpi slt, %select_n3A_180, %lt3A_186 : i32
      %ne3A_188 = arith.xori %lt3A_185, %lt3A_187 : i1
      %and3A_189 = arith.andi %ne3A_188, %ne3A_183 : i1
      %add3A_190 = arith.addi %rem3A_181, %select_n3A_180 : i32
      %select_n3A_191 = arith.select %and3A_189, %add3A_190, %rem3A_181 : i32
      %mul3A_192 = arith.constant 8 : i32
      %mul3A_193 = arith.muli %select_n3A_191, %mul3A_192 : i32
      %dma_start3A_194 = arith.constant 0 : i32
      %dma_start3A_195 = tpu.memref_slice %arg4[%select_n3A, %add3A_175, %mul3A_193, %dma_start3A_194] : memref<4x64x32x4096xf32, #tpu.memory_space<hbm>> -> memref<1x1x8x4096xf32, #tpu.memory_space<hbm>>
      %dma_start3A_196 = tpu.memref_squeeze %dma_start3A_195 : memref<1x1x8x4096xf32, #tpu.memory_space<hbm>> -> memref<8x4096xf32, #tpu.memory_space<hbm>>
      %dma_start3A_197 = arith.constant 0 : i32
      %dma_start3A_198 = tpu.memref_slice %arg4[%select_n3A, %add3A_175, %mul3A_193, %dma_start3A_197] : memref<4x64x32x4096xf32, #tpu.memory_space<hbm>> -> memref<1x1x8x4096xf32, #tpu.memory_space<hbm>>
      %dma_start3A_199 = tpu.memref_squeeze %dma_start3A_198 : memref<1x1x8x4096xf32, #tpu.memory_space<hbm>> -> memref<8x4096xf32, #tpu.memory_space<hbm>>
      tpu.enqueue_dma source(%arg8 : memref<8x4096xf32, #tpu.memory_space<vmem>>) target(%dma_start3A_199 : memref<8x4096xf32, #tpu.memory_space<hbm>>) target_semaphore(%arg12 : memref<!tpu.dma_semaphore, #tpu.memory_space<semaphore_mem>>)
      %lt3A_200 = arith.constant 15 : i32
      %lt3A_201 = arith.cmpi slt, %scan3A_94, %lt3A_200 : i32
      %convert_element_type3A_202 = arith.extui %lt3A_201 : i1 to i32
      %cond3A_203 = arith.constant 0 : i32
      %cond3A_204 = arith.cmpi ne, %convert_element_type3A_202, %cond3A_203 : i32
      scf.if %cond3A_204 {
        %add3A_320 = arith.constant 2 : i32
        %add3A_321 = arith.addi %mul3A_96, %add3A_320 : i32
        %jit3A_322 = arith.constant 4 : i32
        %div3A_323 = arith.divsi %add3A_321, %jit3A_322 : i32
        %sign3A_324 = arith.constant 0 : i32
        %sign3A_325 = arith.cmpi sgt, %add3A_321, %sign3A_324 : i32
        %sign3A_326 = arith.extui %sign3A_325 : i1 to i32
        %sign3A_327 = arith.constant 0 : i32
        %sign3A_328 = arith.cmpi slt, %add3A_321, %sign3A_327 : i32
        %sign3A_329 = arith.extui %sign3A_328 : i1 to i32
        %sign3A_330 = arith.subi %sign3A_326, %sign3A_329 : i32
        %sign3A_331 = arith.constant 0 : i32
        %sign3A_332 = arith.cmpi sgt, %jit3A_322, %sign3A_331 : i32
        %sign3A_333 = arith.extui %sign3A_332 : i1 to i32
        %sign3A_334 = arith.constant 0 : i32
        %sign3A_335 = arith.cmpi slt, %jit3A_322, %sign3A_334 : i32
        %sign3A_336 = arith.extui %sign3A_335 : i1 to i32
        %sign3A_337 = arith.subi %sign3A_333, %sign3A_336 : i32
        %ne3A_338 = arith.cmpi ne, %sign3A_330, %sign3A_337 : i32
        %rem3A_339 = arith.remsi %add3A_321, %jit3A_322 : i32
        %ne3A_340 = arith.constant 0 : i32
        %ne3A_341 = arith.cmpi ne, %rem3A_339, %ne3A_340 : i32
        %and3A_342 = arith.andi %ne3A_338, %ne3A_341 : i1
        %sub3A_343 = arith.constant 1 : i32
        %sub3A_344 = arith.subi %div3A_323, %sub3A_343 : i32
        %select_n3A_345 = arith.select %and3A_342, %sub3A_344, %div3A_323 : i32
        %add3A_346 = arith.addi %mul3A_32, %select_n3A_345 : i32
        %jit3A_347 = arith.constant 4 : i32
        %eq3A_348 = arith.constant 0 : i32
        %eq3A_349 = arith.cmpi eq, %jit3A_347, %eq3A_348 : i32
        %jit3A_350 = arith.constant 1 : i32
        %select_n3A_351 = arith.select %eq3A_349, %jit3A_350, %jit3A_347 : i32
        %rem3A_352 = arith.remsi %add3A_321, %select_n3A_351 : i32
        %ne3A_353 = arith.constant 0 : i32
        %ne3A_354 = arith.cmpi ne, %rem3A_352, %ne3A_353 : i32
        %lt3A_355 = arith.constant 0 : i32
        %lt3A_356 = arith.cmpi slt, %rem3A_352, %lt3A_355 : i32
        %lt3A_357 = arith.constant 0 : i32
        %lt3A_358 = arith.cmpi slt, %select_n3A_351, %lt3A_357 : i32
        %ne3A_359 = arith.xori %lt3A_356, %lt3A_358 : i1
        %and3A_360 = arith.andi %ne3A_359, %ne3A_354 : i1
        %add3A_361 = arith.addi %rem3A_352, %select_n3A_351 : i32
        %select_n3A_362 = arith.select %and3A_360, %add3A_361, %rem3A_352 : i32
        %mul3A_363 = arith.constant 8 : i32
        %mul3A_364 = arith.muli %select_n3A_362, %mul3A_363 : i32
        %dma_start3A_365 = arith.constant 0 : i32
        %dma_start3A_366 = tpu.memref_slice %arg2[%select_n3A, %add3A_346, %mul3A_364, %dma_start3A_365] : memref<4x64x32x1024xf32, #tpu.memory_space<hbm>> -> memref<1x1x8x1024xf32, #tpu.memory_space<hbm>>
        %dma_start3A_367 = tpu.memref_squeeze %dma_start3A_366 : memref<1x1x8x1024xf32, #tpu.memory_space<hbm>> -> memref<8x1024xf32, #tpu.memory_space<hbm>>
        %dma_start3A_368 = arith.constant 0 : i32
        %dma_start3A_369 = tpu.memref_slice %arg2[%select_n3A, %add3A_346, %mul3A_364, %dma_start3A_368] : memref<4x64x32x1024xf32, #tpu.memory_space<hbm>> -> memref<1x1x8x1024xf32, #tpu.memory_space<hbm>>
        %dma_start3A_370 = tpu.memref_squeeze %dma_start3A_369 : memref<1x1x8x1024xf32, #tpu.memory_space<hbm>> -> memref<8x1024xf32, #tpu.memory_space<hbm>>
        tpu.enqueue_dma source(%dma_start3A_370 : memref<8x1024xf32, #tpu.memory_space<hbm>>) target(%arg6 : memref<8x1024xf32, #tpu.memory_space<vmem>>) target_semaphore(%arg10 : memref<!tpu.dma_semaphore, #tpu.memory_space<semaphore_mem>>)
      } else {
      }
      %mul3A_205 = arith.constant 2 : i32
      %mul3A_206 = arith.muli %mul3A_205, %scan3A_94 : i32
      %add3A_207 = arith.constant 1 : i32
      %add3A_208 = arith.addi %mul3A_206, %add3A_207 : i32
      %jit3A_209 = arith.constant 4 : i32
      %div3A_210 = arith.divsi %add3A_208, %jit3A_209 : i32
      %sign3A_211 = arith.constant 0 : i32
      %sign3A_212 = arith.cmpi sgt, %add3A_208, %sign3A_211 : i32
      %sign3A_213 = arith.extui %sign3A_212 : i1 to i32
      %sign3A_214 = arith.constant 0 : i32
      %sign3A_215 = arith.cmpi slt, %add3A_208, %sign3A_214 : i32
      %sign3A_216 = arith.extui %sign3A_215 : i1 to i32
      %sign3A_217 = arith.subi %sign3A_213, %sign3A_216 : i32
      %sign3A_218 = arith.constant 0 : i32
      %sign3A_219 = arith.cmpi sgt, %jit3A_209, %sign3A_218 : i32
      %sign3A_220 = arith.extui %sign3A_219 : i1 to i32
      %sign3A_221 = arith.constant 0 : i32
      %sign3A_222 = arith.cmpi slt, %jit3A_209, %sign3A_221 : i32
      %sign3A_223 = arith.extui %sign3A_222 : i1 to i32
      %sign3A_224 = arith.subi %sign3A_220, %sign3A_223 : i32
      %ne3A_225 = arith.cmpi ne, %sign3A_217, %sign3A_224 : i32
      %rem3A_226 = arith.remsi %add3A_208, %jit3A_209 : i32
      %ne3A_227 = arith.constant 0 : i32
      %ne3A_228 = arith.cmpi ne, %rem3A_226, %ne3A_227 : i32
      %and3A_229 = arith.andi %ne3A_225, %ne3A_228 : i1
      %sub3A_230 = arith.constant 1 : i32
      %sub3A_231 = arith.subi %div3A_210, %sub3A_230 : i32
      %select_n3A_232 = arith.select %and3A_229, %sub3A_231, %div3A_210 : i32
      %add3A_233 = arith.addi %mul3A_32, %select_n3A_232 : i32
      %jit3A_234 = arith.constant 4 : i32
      %eq3A_235 = arith.constant 0 : i32
      %eq3A_236 = arith.cmpi eq, %jit3A_234, %eq3A_235 : i32
      %jit3A_237 = arith.constant 1 : i32
      %select_n3A_238 = arith.select %eq3A_236, %jit3A_237, %jit3A_234 : i32
      %rem3A_239 = arith.remsi %add3A_208, %select_n3A_238 : i32
      %ne3A_240 = arith.constant 0 : i32
      %ne3A_241 = arith.cmpi ne, %rem3A_239, %ne3A_240 : i32
      %lt3A_242 = arith.constant 0 : i32
      %lt3A_243 = arith.cmpi slt, %rem3A_239, %lt3A_242 : i32
      %lt3A_244 = arith.constant 0 : i32
      %lt3A_245 = arith.cmpi slt, %select_n3A_238, %lt3A_244 : i32
      %ne3A_246 = arith.xori %lt3A_243, %lt3A_245 : i1
      %and3A_247 = arith.andi %ne3A_246, %ne3A_241 : i1
      %add3A_248 = arith.addi %rem3A_239, %select_n3A_238 : i32
      %select_n3A_249 = arith.select %and3A_247, %add3A_248, %rem3A_239 : i32
      %mul3A_250 = arith.constant 8 : i32
      %mul3A_251 = arith.muli %select_n3A_249, %mul3A_250 : i32
      %dma_wait3A_252 = arith.constant 0 : i32
      %dma_wait3A_253 = tpu.memref_slice %arg2[%select_n3A, %add3A_233, %mul3A_251, %dma_wait3A_252] : memref<4x64x32x1024xf32, #tpu.memory_space<hbm>> -> memref<1x1x8x1024xf32, #tpu.memory_space<hbm>>
      %dma_wait3A_254 = tpu.memref_squeeze %dma_wait3A_253 : memref<1x1x8x1024xf32, #tpu.memory_space<hbm>> -> memref<8x1024xf32, #tpu.memory_space<hbm>>
      %dma_wait3A_255 = arith.constant 0 : i32
      %dma_wait3A_256 = tpu.memref_slice %arg2[%select_n3A, %add3A_233, %mul3A_251, %dma_wait3A_255] : memref<4x64x32x1024xf32, #tpu.memory_space<hbm>> -> memref<1x1x8x1024xf32, #tpu.memory_space<hbm>>
      %dma_wait3A_257 = tpu.memref_squeeze %dma_wait3A_256 : memref<1x1x8x1024xf32, #tpu.memory_space<hbm>> -> memref<8x1024xf32, #tpu.memory_space<hbm>>
      tpu.wait_dma2 semaphore(%arg11 : memref<!tpu.dma_semaphore, #tpu.memory_space<semaphore_mem>>) src(%dma_wait3A_257 : memref<8x1024xf32, #tpu.memory_space<hbm>>) dst(%arg7 : memref<8x1024xf32, #tpu.memory_space<vmem>>)
      %ge3A_258 = arith.constant 1 : i32
      %ge3A_259 = arith.cmpi sge, %scan3A_94, %ge3A_258 : i32
      %convert_element_type3A_260 = arith.extui %ge3A_259 : i1 to i32
      %cond3A_261 = arith.constant 0 : i32
      %cond3A_262 = arith.cmpi ne, %convert_element_type3A_260, %cond3A_261 : i32
      scf.if %cond3A_262 {
        %jit3A_320 = arith.constant 4 : i32
        %div3A_321 = arith.divsi %add3A_208, %jit3A_320 : i32
        %sign3A_322 = arith.constant 0 : i32
        %sign3A_323 = arith.cmpi sgt, %add3A_208, %sign3A_322 : i32
        %sign3A_324 = arith.extui %sign3A_323 : i1 to i32
        %sign3A_325 = arith.constant 0 : i32
        %sign3A_326 = arith.cmpi slt, %add3A_208, %sign3A_325 : i32
        %sign3A_327 = arith.extui %sign3A_326 : i1 to i32
        %sign3A_328 = arith.subi %sign3A_324, %sign3A_327 : i32
        %sign3A_329 = arith.constant 0 : i32
        %sign3A_330 = arith.cmpi sgt, %jit3A_320, %sign3A_329 : i32
        %sign3A_331 = arith.extui %sign3A_330 : i1 to i32
        %sign3A_332 = arith.constant 0 : i32
        %sign3A_333 = arith.cmpi slt, %jit3A_320, %sign3A_332 : i32
        %sign3A_334 = arith.extui %sign3A_333 : i1 to i32
        %sign3A_335 = arith.subi %sign3A_331, %sign3A_334 : i32
        %ne3A_336 = arith.cmpi ne, %sign3A_328, %sign3A_335 : i32
        %rem3A_337 = arith.remsi %add3A_208, %jit3A_320 : i32
        %ne3A_338 = arith.constant 0 : i32
        %ne3A_339 = arith.cmpi ne, %rem3A_337, %ne3A_338 : i32
        %and3A_340 = arith.andi %ne3A_336, %ne3A_339 : i1
        %sub3A_341 = arith.constant 1 : i32
        %sub3A_342 = arith.subi %div3A_321, %sub3A_341 : i32
        %select_n3A_343 = arith.select %and3A_340, %sub3A_342, %div3A_321 : i32
        %add3A_344 = arith.addi %mul3A_32, %select_n3A_343 : i32
        %jit3A_345 = arith.constant 4 : i32
        %eq3A_346 = arith.constant 0 : i32
        %eq3A_347 = arith.cmpi eq, %jit3A_345, %eq3A_346 : i32
        %jit3A_348 = arith.constant 1 : i32
        %select_n3A_349 = arith.select %eq3A_347, %jit3A_348, %jit3A_345 : i32
        %rem3A_350 = arith.remsi %add3A_208, %select_n3A_349 : i32
        %ne3A_351 = arith.constant 0 : i32
        %ne3A_352 = arith.cmpi ne, %rem3A_350, %ne3A_351 : i32
        %lt3A_353 = arith.constant 0 : i32
        %lt3A_354 = arith.cmpi slt, %rem3A_350, %lt3A_353 : i32
        %lt3A_355 = arith.constant 0 : i32
        %lt3A_356 = arith.cmpi slt, %select_n3A_349, %lt3A_355 : i32
        %ne3A_357 = arith.xori %lt3A_354, %lt3A_356 : i1
        %and3A_358 = arith.andi %ne3A_357, %ne3A_352 : i1
        %add3A_359 = arith.addi %rem3A_350, %select_n3A_349 : i32
        %select_n3A_360 = arith.select %and3A_358, %add3A_359, %rem3A_350 : i32
        %mul3A_361 = arith.constant 8 : i32
        %mul3A_362 = arith.muli %select_n3A_360, %mul3A_361 : i32
        %dma_wait3A_363 = arith.constant 0 : i32
        %dma_wait3A_364 = tpu.memref_slice %arg4[%select_n3A, %add3A_344, %mul3A_362, %dma_wait3A_363] : memref<4x64x32x4096xf32, #tpu.memory_space<hbm>> -> memref<1x1x8x4096xf32, #tpu.memory_space<hbm>>
        %dma_wait3A_365 = tpu.memref_squeeze %dma_wait3A_364 : memref<1x1x8x4096xf32, #tpu.memory_space<hbm>> -> memref<8x4096xf32, #tpu.memory_space<hbm>>
        %dma_wait3A_366 = arith.constant 0 : i32
        %dma_wait3A_367 = tpu.memref_slice %arg4[%select_n3A, %add3A_344, %mul3A_362, %dma_wait3A_366] : memref<4x64x32x4096xf32, #tpu.memory_space<hbm>> -> memref<1x1x8x4096xf32, #tpu.memory_space<hbm>>
        %dma_wait3A_368 = tpu.memref_squeeze %dma_wait3A_367 : memref<1x1x8x4096xf32, #tpu.memory_space<hbm>> -> memref<8x4096xf32, #tpu.memory_space<hbm>>
        tpu.wait_dma2 semaphore(%arg13 : memref<!tpu.dma_semaphore, #tpu.memory_space<semaphore_mem>>) src(%arg9 : memref<8x4096xf32, #tpu.memory_space<vmem>>) dst(%dma_wait3A_368 : memref<8x4096xf32, #tpu.memory_space<hbm>>)
      } else {
      }
      %parallel_loop3A_263 = arith.constant 0 : i32
      %parallel_loop3A_264 = arith.constant 64 : i32
      %parallel_loop3A_265 = arith.constant 1 : i32
      scf.for %parallel_loop3A_320 = %parallel_loop3A_263 to %parallel_loop3A_264 step %parallel_loop3A_265  : i32 {
        %parallel_loop3A_321 = arith.constant 16 : i32
        %parallel_loop3A_322 = arith.muli %parallel_loop3A_320, %parallel_loop3A_321 : i32
        %parallel_loop3A_323 = arith.index_cast %parallel_loop3A_322 : i32 to index
        %parallel_loop3A_324 = tpu.vector_load %arg5[%parallel_loop3A_323] {strides = array<i32>} : memref<1024xi32, #tpu.memory_space<vmem>>, vector<16xi32>,
        %parallel_loop3A_325 = arith.constant 0 : i32
        %parallel_loop3A_326 = arith.index_cast %parallel_loop3A_325 : i32 to index
        %parallel_loop3A_327 = arith.index_cast %parallel_loop3A_322 : i32 to index
        %parallel_loop3A_328 = tpu.vector_load %arg7[%parallel_loop3A_326, %parallel_loop3A_327] {strides = array<i32>} : memref<8x1024xf32, #tpu.memory_space<vmem>>, vector<16xf32>,
        tpu.vector_store_idx %arg9[%broadcast_in_dim3A_56, %parallel_loop3A_324], %parallel_loop3A_328 : memref<8x4096xf32, #tpu.memory_space<vmem>>[vector<16xi32>, vector<16xi32>], vector<16xf32>,
        %parallel_loop3A_329 = arith.constant 1 : i32
        %parallel_loop3A_330 = arith.index_cast %parallel_loop3A_329 : i32 to index
        %parallel_loop3A_331 = arith.index_cast %parallel_loop3A_322 : i32 to index
        %parallel_loop3A_332 = tpu.vector_load %arg7[%parallel_loop3A_330, %parallel_loop3A_331] {strides = array<i32>} : memref<8x1024xf32, #tpu.memory_space<vmem>>, vector<16xf32>,
        tpu.vector_store_idx %arg9[%broadcast_in_dim3A_58, %parallel_loop3A_324], %parallel_loop3A_332 : memref<8x4096xf32, #tpu.memory_space<vmem>>[vector<16xi32>, vector<16xi32>], vector<16xf32>,
        %parallel_loop3A_333 = arith.constant 2 : i32
        %parallel_loop3A_334 = arith.index_cast %parallel_loop3A_333 : i32 to index
        %parallel_loop3A_335 = arith.index_cast %parallel_loop3A_322 : i32 to index
        %parallel_loop3A_336 = tpu.vector_load %arg7[%parallel_loop3A_334, %parallel_loop3A_335] {strides = array<i32>} : memref<8x1024xf32, #tpu.memory_space<vmem>>, vector<16xf32>,
        tpu.vector_store_idx %arg9[%broadcast_in_dim3A_60, %parallel_loop3A_324], %parallel_loop3A_336 : memref<8x4096xf32, #tpu.memory_space<vmem>>[vector<16xi32>, vector<16xi32>], vector<16xf32>,
        %parallel_loop3A_337 = arith.constant 3 : i32
        %parallel_loop3A_338 = arith.index_cast %parallel_loop3A_337 : i32 to index
        %parallel_loop3A_339 = arith.index_cast %parallel_loop3A_322 : i32 to index
        %parallel_loop3A_340 = tpu.vector_load %arg7[%parallel_loop3A_338, %parallel_loop3A_339] {strides = array<i32>} : memref<8x1024xf32, #tpu.memory_space<vmem>>, vector<16xf32>,
        tpu.vector_store_idx %arg9[%broadcast_in_dim3A_62, %parallel_loop3A_324], %parallel_loop3A_340 : memref<8x4096xf32, #tpu.memory_space<vmem>>[vector<16xi32>, vector<16xi32>], vector<16xf32>,
        %parallel_loop3A_341 = arith.constant 4 : i32
        %parallel_loop3A_342 = arith.index_cast %parallel_loop3A_341 : i32 to index
        %parallel_loop3A_343 = arith.index_cast %parallel_loop3A_322 : i32 to index
        %parallel_loop3A_344 = tpu.vector_load %arg7[%parallel_loop3A_342, %parallel_loop3A_343] {strides = array<i32>} : memref<8x1024xf32, #tpu.memory_space<vmem>>, vector<16xf32>,
        tpu.vector_store_idx %arg9[%broadcast_in_dim3A_64, %parallel_loop3A_324], %parallel_loop3A_344 : memref<8x4096xf32, #tpu.memory_space<vmem>>[vector<16xi32>, vector<16xi32>], vector<16xf32>,
        %parallel_loop3A_345 = arith.constant 5 : i32
        %parallel_loop3A_346 = arith.index_cast %parallel_loop3A_345 : i32 to index
        %parallel_loop3A_347 = arith.index_cast %parallel_loop3A_322 : i32 to index
        %parallel_loop3A_348 = tpu.vector_load %arg7[%parallel_loop3A_346, %parallel_loop3A_347] {strides = array<i32>} : memref<8x1024xf32, #tpu.memory_space<vmem>>, vector<16xf32>,
        tpu.vector_store_idx %arg9[%broadcast_in_dim3A_66, %parallel_loop3A_324], %parallel_loop3A_348 : memref<8x4096xf32, #tpu.memory_space<vmem>>[vector<16xi32>, vector<16xi32>], vector<16xf32>,
        %parallel_loop3A_349 = arith.constant 6 : i32
        %parallel_loop3A_350 = arith.index_cast %parallel_loop3A_349 : i32 to index
        %parallel_loop3A_351 = arith.index_cast %parallel_loop3A_322 : i32 to index
        %parallel_loop3A_352 = tpu.vector_load %arg7[%parallel_loop3A_350, %parallel_loop3A_351] {strides = array<i32>} : memref<8x1024xf32, #tpu.memory_space<vmem>>, vector<16xf32>,
        tpu.vector_store_idx %arg9[%broadcast_in_dim3A_68, %parallel_loop3A_324], %parallel_loop3A_352 : memref<8x4096xf32, #tpu.memory_space<vmem>>[vector<16xi32>, vector<16xi32>], vector<16xf32>,
        %parallel_loop3A_353 = arith.constant 7 : i32
        %parallel_loop3A_354 = arith.index_cast %parallel_loop3A_353 : i32 to index
        %parallel_loop3A_355 = arith.index_cast %parallel_loop3A_322 : i32 to index
        %parallel_loop3A_356 = tpu.vector_load %arg7[%parallel_loop3A_354, %parallel_loop3A_355] {strides = array<i32>} : memref<8x1024xf32, #tpu.memory_space<vmem>>, vector<16xf32>,
        tpu.vector_store_idx %arg9[%broadcast_in_dim3A_70, %parallel_loop3A_324], %parallel_loop3A_356 : memref<8x4096xf32, #tpu.memory_space<vmem>>[vector<16xi32>, vector<16xi32>], vector<16xf32>,
      } {sc.loop_unroll_factor = 8 : i64, sc.parallel_access}
      %jit3A_266 = arith.constant 4 : i32
      %div3A_267 = arith.divsi %add3A_208, %jit3A_266 : i32
      %sign3A_268 = arith.constant 0 : i32
      %sign3A_269 = arith.cmpi sgt, %add3A_208, %sign3A_268 : i32
      %sign3A_270 = arith.extui %sign3A_269 : i1 to i32
      %sign3A_271 = arith.constant 0 : i32
      %sign3A_272 = arith.cmpi slt, %add3A_208, %sign3A_271 : i32
      %sign3A_273 = arith.extui %sign3A_272 : i1 to i32
      %sign3A_274 = arith.subi %sign3A_270, %sign3A_273 : i32
      %sign3A_275 = arith.constant 0 : i32
      %sign3A_276 = arith.cmpi sgt, %jit3A_266, %sign3A_275 : i32
      %sign3A_277 = arith.extui %sign3A_276 : i1 to i32
      %sign3A_278 = arith.constant 0 : i32
      %sign3A_279 = arith.cmpi slt, %jit3A_266, %sign3A_278 : i32
      %sign3A_280 = arith.extui %sign3A_279 : i1 to i32
      %sign3A_281 = arith.subi %sign3A_277, %sign3A_280 : i32
      %ne3A_282 = arith.cmpi ne, %sign3A_274, %sign3A_281 : i32
      %rem3A_283 = arith.remsi %add3A_208, %jit3A_266 : i32
      %ne3A_284 = arith.constant 0 : i32
      %ne3A_285 = arith.cmpi ne, %rem3A_283, %ne3A_284 : i32
      %and3A_286 = arith.andi %ne3A_282, %ne3A_285 : i1
      %sub3A_287 = arith.constant 1 : i32
      %sub3A_288 = arith.subi %div3A_267, %sub3A_287 : i32
      %select_n3A_289 = arith.select %and3A_286, %sub3A_288, %div3A_267 : i32
      %add3A_290 = arith.addi %mul3A_32, %select_n3A_289 : i32
      %jit3A_291 = arith.constant 4 : i32
      %eq3A_292 = arith.constant 0 : i32
      %eq3A_293 = arith.cmpi eq, %jit3A_291, %eq3A_292 : i32
      %jit3A_294 = arith.constant 1 : i32
      %select_n3A_295 = arith.select %eq3A_293, %jit3A_294, %jit3A_291 : i32
      %rem3A_296 = arith.remsi %add3A_208, %select_n3A_295 : i32
      %ne3A_297 = arith.constant 0 : i32
      %ne3A_298 = arith.cmpi ne, %rem3A_296, %ne3A_297 : i32
      %lt3A_299 = arith.constant 0 : i32
      %lt3A_300 = arith.cmpi slt, %rem3A_296, %lt3A_299 : i32
      %lt3A_301 = arith.constant 0 : i32
      %lt3A_302 = arith.cmpi slt, %select_n3A_295, %lt3A_301 : i32
      %ne3A_303 = arith.xori %lt3A_300, %lt3A_302 : i1
      %and3A_304 = arith.andi %ne3A_303, %ne3A_298 : i1
      %add3A_305 = arith.addi %rem3A_296, %select_n3A_295 : i32
      %select_n3A_306 = arith.select %and3A_304, %add3A_305, %rem3A_296 : i32
      %mul3A_307 = arith.constant 8 : i32
      %mul3A_308 = arith.muli %select_n3A_306, %mul3A_307 : i32
      %dma_start3A_309 = arith.constant 0 : i32
      %dma_start3A_310 = tpu.memref_slice %arg4[%select_n3A, %add3A_290, %mul3A_308, %dma_start3A_309] : memref<4x64x32x4096xf32, #tpu.memory_space<hbm>> -> memref<1x1x8x4096xf32, #tpu.memory_space<hbm>>
      %dma_start3A_311 = tpu.memref_squeeze %dma_start3A_310 : memref<1x1x8x4096xf32, #tpu.memory_space<hbm>> -> memref<8x4096xf32, #tpu.memory_space<hbm>>
      %dma_start3A_312 = arith.constant 0 : i32
      %dma_start3A_313 = tpu.memref_slice %arg4[%select_n3A, %add3A_290, %mul3A_308, %dma_start3A_312] : memref<4x64x32x4096xf32, #tpu.memory_space<hbm>> -> memref<1x1x8x4096xf32, #tpu.memory_space<hbm>>
      %dma_start3A_314 = tpu.memref_squeeze %dma_start3A_313 : memref<1x1x8x4096xf32, #tpu.memory_space<hbm>> -> memref<8x4096xf32, #tpu.memory_space<hbm>>
      tpu.enqueue_dma source(%arg9 : memref<8x4096xf32, #tpu.memory_space<vmem>>) target(%dma_start3A_314 : memref<8x4096xf32, #tpu.memory_space<hbm>>) target_semaphore(%arg13 : memref<!tpu.dma_semaphore, #tpu.memory_space<semaphore_mem>>)
      %lt3A_315 = arith.constant 15 : i32
      %lt3A_316 = arith.cmpi slt, %scan3A_94, %lt3A_315 : i32
      %convert_element_type3A_317 = arith.extui %lt3A_316 : i1 to i32
      %cond3A_318 = arith.constant 0 : i32
      %cond3A_319 = arith.cmpi ne, %convert_element_type3A_317, %cond3A_318 : i32
      scf.if %cond3A_319 {
        %add3A_320 = arith.constant 2 : i32
        %add3A_321 = arith.addi %add3A_208, %add3A_320 : i32
        %jit3A_322 = arith.constant 4 : i32
        %div3A_323 = arith.divsi %add3A_321, %jit3A_322 : i32
        %sign3A_324 = arith.constant 0 : i32
        %sign3A_325 = arith.cmpi sgt, %add3A_321, %sign3A_324 : i32
        %sign3A_326 = arith.extui %sign3A_325 : i1 to i32
        %sign3A_327 = arith.constant 0 : i32
        %sign3A_328 = arith.cmpi slt, %add3A_321, %sign3A_327 : i32
        %sign3A_329 = arith.extui %sign3A_328 : i1 to i32
        %sign3A_330 = arith.subi %sign3A_326, %sign3A_329 : i32
        %sign3A_331 = arith.constant 0 : i32
        %sign3A_332 = arith.cmpi sgt, %jit3A_322, %sign3A_331 : i32
        %sign3A_333 = arith.extui %sign3A_332 : i1 to i32
        %sign3A_334 = arith.constant 0 : i32
        %sign3A_335 = arith.cmpi slt, %jit3A_322, %sign3A_334 : i32
        %sign3A_336 = arith.extui %sign3A_335 : i1 to i32
        %sign3A_337 = arith.subi %sign3A_333, %sign3A_336 : i32
        %ne3A_338 = arith.cmpi ne, %sign3A_330, %sign3A_337 : i32
        %rem3A_339 = arith.remsi %add3A_321, %jit3A_322 : i32
        %ne3A_340 = arith.constant 0 : i32
        %ne3A_341 = arith.cmpi ne, %rem3A_339, %ne3A_340 : i32
        %and3A_342 = arith.andi %ne3A_338, %ne3A_341 : i1
        %sub3A_343 = arith.constant 1 : i32
        %sub3A_344 = arith.subi %div3A_323, %sub3A_343 : i32
        %select_n3A_345 = arith.select %and3A_342, %sub3A_344, %div3A_323 : i32
        %add3A_346 = arith.addi %mul3A_32, %select_n3A_345 : i32
        %jit3A_347 = arith.constant 4 : i32
        %eq3A_348 = arith.constant 0 : i32
        %eq3A_349 = arith.cmpi eq, %jit3A_347, %eq3A_348 : i32
        %jit3A_350 = arith.constant 1 : i32
        %select_n3A_351 = arith.select %eq3A_349, %jit3A_350, %jit3A_347 : i32
        %rem3A_352 = arith.remsi %add3A_321, %select_n3A_351 : i32
        %ne3A_353 = arith.constant 0 : i32
        %ne3A_354 = arith.cmpi ne, %rem3A_352, %ne3A_353 : i32
        %lt3A_355 = arith.constant 0 : i32
        %lt3A_356 = arith.cmpi slt, %rem3A_352, %lt3A_355 : i32
        %lt3A_357 = arith.constant 0 : i32
        %lt3A_358 = arith.cmpi slt, %select_n3A_351, %lt3A_357 : i32
        %ne3A_359 = arith.xori %lt3A_356, %lt3A_358 : i1
        %and3A_360 = arith.andi %ne3A_359, %ne3A_354 : i1
        %add3A_361 = arith.addi %rem3A_352, %select_n3A_351 : i32
        %select_n3A_362 = arith.select %and3A_360, %add3A_361, %rem3A_352 : i32
        %mul3A_363 = arith.constant 8 : i32
        %mul3A_364 = arith.muli %select_n3A_362, %mul3A_363 : i32
        %dma_start3A_365 = arith.constant 0 : i32
        %dma_start3A_366 = tpu.memref_slice %arg2[%select_n3A, %add3A_346, %mul3A_364, %dma_start3A_365] : memref<4x64x32x1024xf32, #tpu.memory_space<hbm>> -> memref<1x1x8x1024xf32, #tpu.memory_space<hbm>>
        %dma_start3A_367 = tpu.memref_squeeze %dma_start3A_366 : memref<1x1x8x1024xf32, #tpu.memory_space<hbm>> -> memref<8x1024xf32, #tpu.memory_space<hbm>>
        %dma_start3A_368 = arith.constant 0 : i32
        %dma_start3A_369 = tpu.memref_slice %arg2[%select_n3A, %add3A_346, %mul3A_364, %dma_start3A_368] : memref<4x64x32x1024xf32, #tpu.memory_space<hbm>> -> memref<1x1x8x1024xf32, #tpu.memory_space<hbm>>
        %dma_start3A_370 = tpu.memref_squeeze %dma_start3A_369 : memref<1x1x8x1024xf32, #tpu.memory_space<hbm>> -> memref<8x1024xf32, #tpu.memory_space<hbm>>
        tpu.enqueue_dma source(%dma_start3A_370 : memref<8x1024xf32, #tpu.memory_space<hbm>>) target(%arg7 : memref<8x1024xf32, #tpu.memory_space<vmem>>) target_semaphore(%arg11 : memref<!tpu.dma_semaphore, #tpu.memory_space<semaphore_mem>>)
      } else {
      }
    }
    %scan3A_74 = arith.constant 16 : i32
    %add3A_75 = arith.constant 0 : i32
    %add3A_76 = arith.addi %mul3A_32, %add3A_75 : i32
    %dma_wait3A = arith.constant 0 : i32
    %dma_wait3A_77 = arith.constant 0 : i32
    %dma_wait3A_78 = tpu.memref_slice %arg4[%select_n3A, %add3A_76, %dma_wait3A, %dma_wait3A_77] : memref<4x64x32x4096xf32, #tpu.memory_space<hbm>> -> memref<1x1x8x4096xf32, #tpu.memory_space<hbm>>
    %dma_wait3A_79 = tpu.memref_squeeze %dma_wait3A_78 : memref<1x1x8x4096xf32, #tpu.memory_space<hbm>> -> memref<8x4096xf32, #tpu.memory_space<hbm>>
    %dma_wait3A_80 = arith.constant 0 : i32
    %dma_wait3A_81 = arith.constant 0 : i32
    %dma_wait3A_82 = tpu.memref_slice %arg4[%select_n3A, %add3A_76, %dma_wait3A_80, %dma_wait3A_81] : memref<4x64x32x4096xf32, #tpu.memory_space<hbm>> -> memref<1x1x8x4096xf32, #tpu.memory_space<hbm>>
    %dma_wait3A_83 = tpu.memref_squeeze %dma_wait3A_82 : memref<1x1x8x4096xf32, #tpu.memory_space<hbm>> -> memref<8x4096xf32, #tpu.memory_space<hbm>>
    tpu.wait_dma2 semaphore(%arg12 : memref<!tpu.dma_semaphore, #tpu.memory_space<semaphore_mem>>) src(%arg8 : memref<8x4096xf32, #tpu.memory_space<vmem>>) dst(%dma_wait3A_83 : memref<8x4096xf32, #tpu.memory_space<hbm>>)
    %add3A_84 = arith.constant 0 : i32
    %add3A_85 = arith.addi %mul3A_32, %add3A_84 : i32
    %dma_wait3A_86 = arith.constant 8 : i32
    %dma_wait3A_87 = arith.constant 0 : i32
    %dma_wait3A_88 = tpu.memref_slice %arg4[%select_n3A, %add3A_85, %dma_wait3A_86, %dma_wait3A_87] : memref<4x64x32x4096xf32, #tpu.memory_space<hbm>> -> memref<1x1x8x4096xf32, #tpu.memory_space<hbm>>
    %dma_wait3A_89 = tpu.memref_squeeze %dma_wait3A_88 : memref<1x1x8x4096xf32, #tpu.memory_space<hbm>> -> memref<8x4096xf32, #tpu.memory_space<hbm>>
    %dma_wait3A_90 = arith.constant 8 : i32
    %dma_wait3A_91 = arith.constant 0 : i32
    %dma_wait3A_92 = tpu.memref_slice %arg4[%select_n3A, %add3A_85, %dma_wait3A_90, %dma_wait3A_91] : memref<4x64x32x4096xf32, #tpu.memory_space<hbm>> -> memref<1x1x8x4096xf32, #tpu.memory_space<hbm>>
    %dma_wait3A_93 = tpu.memref_squeeze %dma_wait3A_92 : memref<1x1x8x4096xf32, #tpu.memory_space<hbm>> -> memref<8x4096xf32, #tpu.memory_space<hbm>>
    tpu.wait_dma2 semaphore(%arg13 : memref<!tpu.dma_semaphore, #tpu.memory_space<semaphore_mem>>) src(%arg9 : memref<8x4096xf32, #tpu.memory_space<vmem>>) dst(%dma_wait3A_93 : memref<8x4096xf32, #tpu.memory_space<hbm>>)
    return
  }
}

</mosaic_0001>

<sc_bundles>
// kernel: kernel.3.cloned.1.call-start
scs
__scs_entry_jumppad:
0x0: {  	(pc) =	sbr.rel $0x88, $3  }
0x1: {  	(tag) =	ssettag $0x0;
	lr =	simm.s32 $0x1  }
0x2: {  	[smem:$0x3F9F] =	sst lr;
	_ =	strace $0xD0000000  }
0x3: {  	_ = 	snop  }
0x4: {  	_ = 	snop  }
0x5: {  	_ = 	snop  }
0x6: {  	_ = 	snop  }
0x7: {  	_ = 	snop  }
__scs_overlays_trampoline_lowered:
0x8: {  	[smem:$0x3FAE] =	sst s0  }
0x9: {  	[smem:$0x3FAF] =	sst s1  }
0xa: {  	[smem:$0x3FB0] =	sst s2  }
0xb: {  	[smem:$0x3FB1] =	sst s3  }
0xc: {  	[smem:$0x3FB2] =	sst s4  }
0xd: {  	[smem:$0x3FB3] =	sst s5  }
0xe: {  	[smem:$0x3FB4] =	sst s6  }
0xf: {  	[smem:$0x3FB5] =	sst s7  }
0x10: {  	[smem:$0x3FB6] =	sst s8  }
0x11: {  	[smem:$0x3FB7] =	sst s9;
	s0 =	simm.s32 @!p0 $0x0  }
0x12: {  	s1 =	sld [smem:$0x3F9D];
	s0 =	simm.s32 @p0 $0x1  }
0x13: {  	[smem:$0x3FB8] =	sst s0;
	s0 =	simm.s32 @!p1 $0x0  }
0x14: {  	s2 =	sld [smem:$0x3F9C];
	s0 =	simm.s32 @p1 $0x1  }
0x15: {  	[smem:$0x3FB9] =	sst s0;
	s0 =	simm.s32 @!p2 $0x0  }
0x16: {  	s3 =	sld [smem:$0x3FDB];
	s0 =	simm.s32 @p2 $0x1  }
0x17: {  	s4 =	simm.s32 $0x1BF5;
	[smem:$0x3FBB] =	sst s0  }
0x18: {  	s0 =	sld [smem:$0x3F9E];
	_ =	swait.ge [sflag:s4], $0x0  }
0x19: {  	s7 =	sld [smem:$0x3F9F]  }
0x1a: {  	s8 =	sadd.s32 $0xFFFFE003, lr  }
0x1b: {  	s9 =	sadd.s32 $0xFFFFFEF7, lr;
	s5 =	simm.s32 $0xFFFFFFFF;
	p2 =	slt.u32 s8, $0xFFFFF086  }
0x1c: {  	p1 =	slt.u32 s9, $0xF7A;
	s5 =	simm.s32 @!p2 $0x0  }
0x1d: {  	s5 =	simm.s32 @p1 $0x1;
	p0 =	seq.s32 s7, s2  }
0x1e: {  	s7 =	smul.u32 @!p0 $0xF7A, s2;
	p2 =	seq.s32 @!p0 s5, $0x0  }
0x1f: {  	s9 =	smul.u32 $0xF7A, s1;
	s8 =	simm.s32 @!p0 $0x1BF5;
	p2 =	por !p2, p0  }
0x20: {  	[sflag:s8] =	ssyncset.s32 @!p0 $0xFFFFF086;
	s6 =	sadd.s32 @!p0 s3, s7;
	s7 =	simm.s32 @!p0 $0x108  }
0x21: {  	s3 =	sadd.s32 s3, s9;
	s6 =	sadd.s32 @!p0 $0x88, s6;
	s7 =	simm.s32 @p2 $0x1082  }
0x22: {  	[simem:s7], [sflag:s8] =	dma.local @!p0 [hbm:s6], $0xF7A  }
0x23: {  	s9 =	sor.u32 $0xD0000000, s2;
	s6 =	simm.s32 $0x108;
	_ =	swait.ge @!p0 [sflag:s8], $0x0  }
0x24: {  	s3 =	sadd.s32 $0x88, s3;
	s6 =	simm.s32 @!p1 $0x1082;
	[sflag:s4] =	ssyncset.s32 $0xFFFFF086  }
0x25: {  	[simem:s6], [sflag:s4] =	dma.local [hbm:s3], $0xF7A  }
0x26: {  	[smem:$0x3F9F] =	sst s1;
	(tag) =	ssettag s2;
	_ =	strace s9  }
0x27: {  	s1 =	sld [smem:$0x3FAF]  }
0x28: {  	s2 =	sld [smem:$0x3FB0]  }
0x29: {  	s4 =	sld [smem:$0x3FB2]  }
0x2a: {  	p0 =	seq.s32 s5, $0x0;
	s5 =	sld [smem:$0x3FB3]  }
0x2b: {  	s6 =	sld [smem:$0x3FB4]  }
0x2c: {  	s7 =	sld [smem:$0x3FB5]  }
0x2d: {  	s3 =	simm.s32 $0x108;
	s8 =	sld [smem:$0x3FB6]  }
0x2e: {  	s3 =	simm.s32 @!p0 $0x1082;
	s9 =	sld [smem:$0x3FB7]  }
0x2f: {  	lr =	sadd.s32 s0, s3;
	s0 =	sld [smem:$0x3FAE]  }
0x30: {  	s3 =	sld [smem:$0x3FB1]  }
0x31: {  	[smem:$0x3FBA] =	sst s10  }
0x32: {  	s10 =	sld [smem:$0x3FB8];
	_ =	sdelay $0x3  }
0x33: {  	p0 =	seq.s32 s10, $0x1;
	s10 =	sld [smem:$0x3FBA];
	_ =	sdelay $0x3  }
0x34: {  	[smem:$0x3FBA] =	sst s10  }
0x35: {  	s10 =	sld [smem:$0x3FB9];
	_ =	sdelay $0x3  }
0x36: {  	p1 =	seq.s32 s10, $0x1;
	s10 =	sld [smem:$0x3FBA];
	_ =	sdelay $0x3  }
0x37: {  	[smem:$0x3FBA] =	sst s10  }
0x38: {  	s10 =	sld [smem:$0x3FBB]  }
0x39: {  	_ = 	snop;
	(pc) =	sbr.ind lr, $3  }
0x3a: {  	_ = 	snop  }
0x3b: {  	_ = 	snop  }
0x3c: {  	p2 =	seq.s32 s10, $0x1;
	s10 =	sld [smem:$0x3FBA]  }
0x3d: {  	_ =	shalt  }
0x3e: {  	_ =	shalt  }
0x3f: {  	_ =	shalt  }
0x40: {  	_ =	shalt  }
0x41: {  	_ =	shalt  }
0x42: {  	_ =	shalt  }
0x43: {  	_ =	shalt  }
0x44: {  	_ =	shalt  }
0x45: {  	_ =	shalt  }
0x46: {  	_ =	shalt  }
0x47: {  	_ =	shalt  }
0x48: {  	_ =	shalt  }
0x49: {  	_ =	shalt  }
0x4a: {  	_ =	shalt  }
0x4b: {  	_ =	shalt  }
0x4c: {  	_ =	shalt  }
0x4d: {  	_ =	shalt  }
0x4e: {  	_ =	shalt  }
0x4f: {  	_ =	shalt  }
0x50: {  	_ =	shalt  }
0x51: {  	_ =	shalt  }
0x52: {  	_ =	shalt  }
0x53: {  	_ =	shalt  }
0x54: {  	_ =	shalt  }
0x55: {  	_ =	shalt  }
0x56: {  	_ =	shalt  }
0x57: {  	_ =	shalt  }
0x58: {  	_ =	shalt  }
0x59: {  	_ =	shalt  }
0x5a: {  	_ =	shalt  }
0x5b: {  	_ =	shalt  }
0x5c: {  	_ =	shalt  }
0x5d: {  	_ =	shalt  }
0x5e: {  	_ =	shalt  }
0x5f: {  	_ =	shalt  }
0x60: {  	_ =	shalt  }
0x61: {  	_ =	shalt  }
0x62: {  	_ =	shalt  }
0x63: {  	_ =	shalt  }
0x64: {  	_ =	shalt  }
0x65: {  	_ =	shalt  }
0x66: {  	_ =	shalt  }
0x67: {  	_ =	shalt  }
0x68: {  	_ =	shalt  }
0x69: {  	_ =	shalt  }
0x6a: {  	_ =	shalt  }
0x6b: {  	_ =	shalt  }
0x6c: {  	_ =	shalt  }
0x6d: {  	_ =	shalt  }
0x6e: {  	_ =	shalt  }
0x6f: {  	_ =	shalt  }
0x70: {  	_ =	shalt  }
0x71: {  	_ =	shalt  }
0x72: {  	_ =	shalt  }
0x73: {  	_ =	shalt  }
0x74: {  	_ =	shalt  }
0x75: {  	_ =	shalt  }
0x76: {  	_ =	shalt  }
0x77: {  	_ =	shalt  }
0x78: {  	_ =	shalt  }
0x79: {  	_ =	shalt  }
0x7a: {  	_ =	shalt  }
0x7b: {  	_ =	shalt  }
0x7c: {  	_ =	shalt  }
0x7d: {  	_ =	shalt  }
0x7e: {  	_ =	shalt  }
0x7f: {  	_ =	shalt  }
0x80: {  	_ =	shalt  }
0x81: {  	_ =	shalt  }
0x82: {  	_ =	shalt  }
0x83: {  	_ =	shalt  }
0x84: {  	_ =	shalt  }
0x85: {  	_ =	shalt  }
0x86: {  	_ =	shalt  }
0x87: {  	_ =	shalt  }
.Lfunc_end0:
.L_simem_size_0:
called_computation_lowered:
.L_overlay_start_0:
0x88: {  	s2 =	sld [smem:$0x3FD9]  }
0x89: {  	s3 =	sld [smem:$0x3FFE];
	_ =	sdelay $0x1  }
0x8a: {  	s1 =	srdreg.scid  }
0x8b: {  	s0 =	sand.u32 $0x1, s1  }
0x8c: {  	s18 =	sshll.u32 s0, $0xA;
	s2 =	sadd.s32 s3, s2  }
0x8d: {  	s2 =	sadd.s32 s2, s18  }
0x8e: {  	[smem:$0x3FC6] =	sst s2  }
0x8f: {  	_ = 	snop  }
0x90: {  	s2 =	sld [smem:$0x3FC9]  }
0x91: {  	s19 =	sld [smem:$0x3FC8]  }
0x92: {  	s4 =	sld [smem:$0x3FD0];
	(tm) =	ssettm $0x1  }
0x93: {  	s5 =	sld [smem:$0x3FFB];
	_ =	sdelay $0x3  }
0x94: {  	_ =	strace s5  }
0x95: {  	s5 =	sld [smem:$0x3FFC];
	_ =	sdelay $0x3  }
0x96: {  	_ =	strace s5  }
0x97: {  	s5 =	sld [smem:$0x3FFD];
	_ =	sdelay $0x3  }
0x98: {  	_ =	strace s5  }
0x99: {  	_ =	strace $0x8FFFFFFF  }
0x9a: {  	s20 =	sld [smem:$0x3FDB];
	_ =	sdelay $0x1  }
0x9b: {  	s6 =	simm.s32 $_scs_section_size  }
0x9c: {  	s7 =	simm.s32 $_size__tile_overlayer_lowered;
	s8 =	simm.s32 $_tile_overlayer_lowered  }
0x9d: {  	s23 =	simm.s32 $0x1BFF;
	s22 =	sshll.u32 s8, $0x1;
	s5 =	sadd.s32 s6, s20  }
0x9e: {  	s9 =	simm.s32 $0x0;
	s21 =	sshll.u32 s7, $0x1;
	s7 =	sadd.s32 s22, s5  }
0x9f: {  	[timem:s9], [sflag:s23] =	dma.local [hbm:s7], s21  }
0xa0: {  	_ =	swait.ge [sflag:s23], s21  }
0xa1: {  	s6 =	ssub.s32 $0x0, s21;
	[sflag:s23] =	ssyncset.done $0x0  }
0xa2: {  	[sflag:s23] =	ssyncadd.s32 s6;
	_ =	sdelay $0x1  }
0xa3: {  	s24 =	simm.s32 $0x1B8B  }
0xa4: {  	_ =	swait.ge [sflag:s24], $0x1  }
0xa5: {  	[sflag:s24] =	ssyncset.done $0x0  }
0xa6: {  	s25 =	simm.s32 $0x1B8E;
	[sflag:s24] =	ssyncadd.s32 $0xFFFFFFFF  }
0xa7: {  	s26 =	simm.s32 $execute0_lowered;
	[smem:$0x3FD2] =	sst s25  }
0xa8: {  	s6 =	sshll.u32 s26, $0x1;
	_ =	strace $0x80000046;
	[dreg:$0x1] =	wrdreg $0xFFFFFFFF  }
0xa9: {  	s28 =	simm.s32 $_size_execute0_lowered;
	s5 =	sadd.s32 s5, s6;
	[dreg:$0x0] =	wrdreg $0x0  }
0xaa: {  	s6 =	sshll.u32 s28, $0x1;
	[dreg:$0x2] =	wrdreg s5  }
0xab: {  	[dreg:$0x3] =	wrdreg s6  }
0xac: {  	[dreg:$0x4] =	wrdreg $0xC0  }
0xad: {  	_ =	task [dreg:s9], $0x5FFFF  }
0xae: {  	[dreg:$0x1] =	wrdreg $0xFFFFFFFF  }
0xaf: {  	[dreg:$0x0] =	wrdreg $0x60  }
0xb0: {  	[dreg:$0x2] =	wrdreg s2  }
0xb1: {  	[dreg:$0x3] =	wrdreg s19  }
0xb2: {  	[dreg:$0x4] =	wrdreg s4  }
0xb3: {  	[dreg:$0x5] =	wrdreg $0x9  }
0xb4: {  	_ =	task.clear_ibuf [dreg:s9], $0x6FFFF;
	_ =	strace $0x90000046  }
0xb5: {  	s29 =	simm.s32 $0x9;
	_ =	strace $0x80000048  }
0xb6: {  	_ =	swait.ge [sflag:s29], $0x1  }
0xb7: {  	[sflag:s29] =	ssyncadd.s32 $0xFFFFFFFF  }
0xb8: {  	_ =	strace $0x90000048  }
0xb9: {  	_ =	sfence  }
0xba: {  	s30 =	sld [smem:$0x0];
	_ =	sdelay $0x2  }
0xbb: {  	s31 =	sshll.u32 s1, $0xD;
	s1 =	sshrl.u32 s1, $0x2  }
0xbc: {  	s3 =	sand.u32 $0x4000, s31;
	s1 =	sadd.s32 s1, s30  }
0xbd: {  	s0 =	sor.u32 s3, s0;
	s1 =	sshll.u32 s1, $0x11  }
0xbe: {  	s0 =	sor.u32 s1, s0  }
0xbf: {  	s0 =	sadd.s32 $0x8F2B, s0  }
0xc0: {  	[sflag:s0] =	ssyncadd.remote.s32 $0x1  }
0xc1: {  	_ =	sfence.sel $0xFFFF  }
0xc2: {  	[dreg:$0x0] =	wrdreg $0xFFFFFFFF;
	(pc) =	sbr.abs _section_cstart, $3  }
0xc3: {  	[dreg:$0x1] =	wrdreg $0xFFFFFFFF  }
0xc4: {  	_ =	task.clear_ibuf [dreg:s9], $0x2FFFF;
	_ =	strace $0x9FFFFFFF  }
0xc5: {  	(tm) =	ssettm $0x7FFFFFFF  }
tec
execute0_lowered:
.L_overlay_start_1:
0x0: {  	(tag) =	ssettag $0x1  }
0x1: {  	s2 =	rddreg [dreg:$0x0]  }
0x2: {  	s0 =	rddreg [dreg:$0x1]  }
0x3: {  	s3 =	rddreg [dreg:$0x2];
	s7 =	stileid.u32;
	s4 =	simm.s32 $0x0  }
0x4: {  	s1 =	srdreg.scid;
	s16 =	simm.s32 $0x400;
	s17 =	simm.s32 $0x2400  }
0x5: {  	s18 =	simm.s32 $0x1;
	s19 =	simm.s32 $0x4400;
	s20 =	simm.s32 $0x2  }
0x6: {  	s21 =	simm.s32 $0x4;
	s22 =	simm.s32 $0xC400;
	s5 =	sshll.u32 s7, $0x1  }
0x7: {  	[smem:$0x7FF] =	sst s4;
	s1 =	sand.u32 $0x1, s1;
	s7 =	sshrl.u32 s7, $0x2  }
0x8: {  	s5 =	sand.u32 $0x6, s5;
	s6 =	ssub.s32 $0x2, s1;
	_ =	strace $0x80000047  }
0x9: {  	s29 =	sshll.u32 s7, $0x4;
	s1 =	sor.u32 s1, s5;
	s8 =	sshrl.u32 s6, $0x1  }
0xa: {  	s5 =	sshll.u32 s7, $0x15;
	s0 =	sadd.s32 s0, s29;
	s9 =	sshll.u32 s1, $0x12  }
.Ltmp0:
0xb: {  	s12 =	ssub.s32 s6, s8;
	s28 =	sor.u32 s5, s9;
	(pc) =	sbr.rel .LBB2_1-.Ltmp0, $4  }
0xc: {  	[dreg:$0x4] =	wrdreg s0;
	s31 =	smax.u32 s12, $0x1;
	s8 =	sshrl.u32 s28, $0x3  }
0xd: {  	s24 =	simm.s32 $0x0;
	[dreg:$0x7] =	wrdreg s31;
	s30 =	sadd.s32 s2, s8  }
0xe: {  	s9 =	sshll.u32 s7, $0x17;
	[dreg:$0x5] =	wrdreg s30;
	s0 =	sadd.s32 $0x400, s30  }
0xf: {  	v0 =	vimm.f32 $0.0e+00;
	s6 =	sshll.u32 s1, $0x3;
	s11 =	sor.u32 $0x8000, s9;
	[dreg:$0x6] =	wrdreg s0  }
.LBB2_14:
0x10: {  	s0 =	simm.s32 $0x3  }
0x11: {  	_ =	swait.ge [sflag:s0], $0x8000  }
0x12: {  	[sflag:s0] =	ssyncset.done $0x0  }
0x13: {  	[sflag:s0] =	ssyncadd.s32 $0xFFFF8000  }
0x14: {  	_ =	swait.ge [sflag:s21], $0x8000  }
0x15: {  	s24 =	sadd.s32 $0x1, s24;
	s31 =	rddreg [dreg:$0x7]  }
0x16: {  	p0 =	sne.s32 s24, s31  }
.Ltmp1:
0x17: {  	_ = 	snop;
	(pc) =	sbr.rel @!p0 .LBB2_15-.Ltmp1, $3  }
0x18: {  	_ =	sdelay $0x1  }
0x19: {  	[sflag:s21] =	ssyncset.done $0x0  }
0x1a: {  	v0 =	vimm.f32 $0.0e+00;
	[sflag:s21] =	ssyncadd.s32 $0xFFFF8000  }
.LBB2_1:
0x1b: {  	s0 =	rddreg [dreg:$0x4]  }
0x1c: {  	s1 =	simm.s32 $0x80;
	s7 =	simm.s32 $0x200;
	s13 =	simm.s32 $0x5  }
0x1d: {  	[tilespmem:s4], [sflag:$0x5] =	stream.strided.gather [hbm4b:s0+s1], $0x400, s7, s1, $0x38;
	[tilespmem:$0x14400] =	vst v63  }
0x1e: {  	_ =	swait.ge [sflag:s13], $0x400  }
0x1f: {  	s23 =	sand.u32 $0x40, s4;
	[sflag:s13] =	ssyncset.done $0x0  }
0x20: {  	s25 =	sand.u32 $0x7C00, s4;
	s14 =	rddreg [dreg:$0x5];
	[sflag:s13] =	ssyncadd.s32 $0xFFFFFC00  }
0x21: {  	[tilespmem:s16], [sflag:$0x1] =	stream.linear.gather [hbm4b:s14+s4], $0x2000, $0x38;
	[tilespmem:$0x14400] =	vst v63  }
0x22: {  	s0 =	sor.u32 s23, s25;
	s15 =	rddreg [dreg:$0x6]  }
0x23: {  	[tilespmem:s17], [sflag:$0x2] =	stream.linear.gather [hbm4b:s15+s4], $0x2000, $0x38;
	[tilespmem:$0x14400] =	vst v63  }
0x24: {  	[tilespmem:s0+$0xC5B0] =	vst v0  }
0x25: {  	[tilespmem:s0+$0x45B0] =	vst v0  }
0x26: {  	[tilespmem:s0+$0x4410] =	vst v0  }
0x27: {  	[tilespmem:s0+$0xC510] =	vst v0  }
0x28: {  	[tilespmem:s0+$0xC530] =	vst v0  }
0x29: {  	[tilespmem:s0+$0xC590] =	vst v0  }
0x2a: {  	[tilespmem:s0+$0x4530] =	vst v0  }
0x2b: {  	[tilespmem:s0+$0x4490] =	vst v0  }
0x2c: {  	[tilespmem:s0+$0x4590] =	vst v0  }
0x2d: {  	[tilespmem:s0+$0xC4B0] =	vst v0  }
0x2e: {  	[tilespmem:s0+$0x4510] =	vst v0  }
0x2f: {  	[tilespmem:s0+$0x44B0] =	vst v0  }
0x30: {  	[tilespmem:s0+$0xC430] =	vst v0  }
0x31: {  	[tilespmem:s0+$0x4430] =	vst v0  }
0x32: {  	[tilespmem:s0+$0xC480] =	vst v0  }
0x33: {  	[tilespmem:s0+$0x4400] =	vst v0  }
0x34: {  	[tilespmem:s0+$0xC490] =	vst v0  }
0x35: {  	[tilespmem:s0+$0x4500] =	vst v0  }
0x36: {  	[tilespmem:s0+$0xC500] =	vst v0  }
0x37: {  	[tilespmem:s0+$0xC400] =	vst v0  }
0x38: {  	[tilespmem:s0+$0xC410] =	vst v0  }
0x39: {  	[tilespmem:s0+$0x4580] =	vst v0  }
0x3a: {  	[tilespmem:s0+$0xC580] =	vst v0  }
0x3b: {  	[tilespmem:s0+$0xC5A0] =	vst v0  }
0x3c: {  	[tilespmem:s0+$0x4420] =	vst v0  }
0x3d: {  	[tilespmem:s0+$0x45A0] =	vst v0  }
0x3e: {  	p0 =	por $0x0, $0x0;
	s1 =	simm.s32 $0x1;
	[tilespmem:s0+$0x4480] =	vst v0  }
0x3f: {  	s1 =	simm.s32 @!p0 $0x0;
	[tilespmem:s0+$0xC520] =	vst v0  }
0x40: {  	s1 =	sshll.u32 s1, $0x6;
	[tilespmem:s0+$0x4520] =	vst v0  }
0x41: {  	s1 =	sadd.s32 $0x0, s1;
	[tilespmem:s0+$0xC4A0] =	vst v0  }
0x42: {  	s25 =	sadd.s32 $0x30, s1;
	[tilespmem:s0+$0x44A0] =	vst v0  }
0x43: {  	s26 =	sor.u32 $0x200, s25;
	[tilespmem:s0+$0xC420] =	vst v0  }
0x44: {  	s28 =	sadd.s32 $0x10, s1;
	[tilespmem:s26+$0x4400] =	vst v0  }
0x45: {  	s13 =	sor.u32 $0x200, s28;
	[tilespmem:s26+$0xC400] =	vst v0  }
0x46: {  	[tilespmem:s13+$0x4400] =	vst v0  }
0x47: {  	s30 =	sadd.s32 $0x20, s1;
	s31 =	sor.u32 $0x200, s1;
	[tilespmem:s13+$0xC400] =	vst v0  }
0x48: {  	s8 =	sor.u32 $0x200, s30;
	[tilespmem:s31+$0xC400] =	vst v0  }
0x49: {  	[tilespmem:s8+$0x4400] =	vst v0  }
0x4a: {  	[tilespmem:s8+$0xC400] =	vst v0  }
0x4b: {  	s14 =	sor.u32 $0x280, s28;
	[tilespmem:s31+$0x4400] =	vst v0  }
0x4c: {  	[tilespmem:s14+$0x4400] =	vst v0  }
0x4d: {  	s10 =	sor.u32 $0x280, s1;
	[tilespmem:s14+$0xC400] =	vst v0  }
0x4e: {  	[tilespmem:s10+$0x4400] =	vst v0  }
0x4f: {  	s23 =	sor.u32 $0x280, s30;
	[tilespmem:s10+$0xC400] =	vst v0  }
0x50: {  	[tilespmem:s23+$0x4400] =	vst v0  }
0x51: {  	s29 =	sor.u32 $0x300, s28;
	[tilespmem:s23+$0xC400] =	vst v0  }
0x52: {  	[tilespmem:s29+$0x4400] =	vst v0  }
0x53: {  	s12 =	sor.u32 $0x300, s1;
	[tilespmem:s29+$0xC400] =	vst v0  }
0x54: {  	[tilespmem:s12+$0x4400] =	vst v0  }
0x55: {  	s26 =	sor.u32 $0x300, s30;
	[tilespmem:s12+$0xC400] =	vst v0  }
0x56: {  	[tilespmem:s26+$0x4400] =	vst v0  }
0x57: {  	s15 =	sor.u32 $0x380, s1;
	[tilespmem:s26+$0xC400] =	vst v0  }
0x58: {  	[tilespmem:s15+$0x4400] =	vst v0  }
0x59: {  	s28 =	sor.u32 $0x380, s28;
	[tilespmem:s15+$0xC400] =	vst v0  }
0x5a: {  	[tilespmem:s28+$0x4400] =	vst v0  }
0x5b: {  	s29 =	sor.u32 $0x380, s30;
	[tilespmem:s28+$0xC400] =	vst v0  }
0x5c: {  	[tilespmem:s29+$0x4400] =	vst v0  }
0x5d: {  	s30 =	sor.u32 $0x280, s25;
	[tilespmem:s29+$0xC400] =	vst v0  }
0x5e: {  	[tilespmem:s30+$0xC400] =	vst v0  }
0x5f: {  	s31 =	sor.u32 $0x300, s25;
	[tilespmem:s30+$0x4400] =	vst v0  }
0x60: {  	p0 =	por !p0, !p0;
	s7 =	sor.u32 $0x380, s25;
	[tilespmem:s31+$0x4400] =	vst v0  }
0x61: {  	s1 =	simm.s32 $0x40;
	s0 =	simm.s32 $0x0;
	s26 =	simm.s32 $0x200;
	[tilespmem:s31+$0xC400] =	vst v0  }
.LBB2_2:
0x62: {  	s13 =	simm.s32 $0x1  }
0x63: {  	s14 =	sand.u32 $0x40, s1;
	s25 =	sand.u32 $0x7C00, s26;
	[tilespmem:s7+$0x4400] =	vst v0;
	s13 =	simm.s32 @!p0 $0x0  }
0x64: {  	s0 =	sadd.s32 $0x4, s0;
	s29 =	sor.u32 s14, s25;
	s13 =	sshll.u32 s13, $0x6;
	[tilespmem:s7+$0xC400] =	vst v0  }
0x65: {  	p1 =	slt.u32 s0, $0xFC;
	s10 =	sadd.s32 s13, s26;
	[tilespmem:s29+$0xC5B0] =	vst v0  }
0x66: {  	s25 =	sadd.s32 $0x10, s10;
	s13 =	sadd.s32 $0x20, s10;
	[tilespmem:s29+$0x45B0] =	vst v0;
	s28 =	sadd.s32 $0x30, s10  }
0x67: {  	[tilespmem:s29+$0x4410] =	vst v0;
	s7 =	sor.u32 $0x200, s28  }
0x68: {  	[tilespmem:s29+$0xC510] =	vst v0  }
0x69: {  	[tilespmem:s29+$0xC530] =	vst v0  }
0x6a: {  	[tilespmem:s29+$0xC590] =	vst v0  }
0x6b: {  	[tilespmem:s29+$0x4530] =	vst v0  }
0x6c: {  	s30 =	sor.u32 $0x200, s13;
	[tilespmem:s29+$0x4490] =	vst v0  }
0x6d: {  	[tilespmem:s29+$0x4590] =	vst v0  }
0x6e: {  	[tilespmem:s29+$0xC4B0] =	vst v0  }
0x6f: {  	[tilespmem:s29+$0x4510] =	vst v0  }
0x70: {  	[tilespmem:s29+$0x44B0] =	vst v0  }
0x71: {  	[tilespmem:s29+$0xC430] =	vst v0  }
0x72: {  	[tilespmem:s29+$0x4430] =	vst v0  }
0x73: {  	s31 =	sor.u32 $0x200, s10;
	s12 =	sor.u32 $0x200, s25;
	[tilespmem:s7+$0x4400] =	vst v0  }
0x74: {  	[tilespmem:s7+$0xC400] =	vst v0  }
0x75: {  	s14 =	sor.u32 $0x280, s10;
	s8 =	sor.u32 $0x280, s25;
	[tilespmem:s29+$0xC480] =	vst v0  }
0x76: {  	[tilespmem:s29+$0x4400] =	vst v0  }
0x77: {  	s15 =	sor.u32 $0x300, s25;
	s7 =	sor.u32 $0x300, s10;
	[tilespmem:s29+$0xC490] =	vst v0  }
0x78: {  	[tilespmem:s29+$0x4500] =	vst v0  }
0x79: {  	s10 =	sor.u32 $0x380, s10;
	[tilespmem:s29+$0xC500] =	vst v0  }
0x7a: {  	[tilespmem:s29+$0xC400] =	vst v0  }
0x7b: {  	[tilespmem:s29+$0xC410] =	vst v0  }
0x7c: {  	s23 =	sor.u32 $0x280, s13;
	[tilespmem:s12+$0x4400] =	vst v0  }
0x7d: {  	[tilespmem:s12+$0xC400] =	vst v0  }
0x7e: {  	[tilespmem:s8+$0x4400] =	vst v0  }
0x7f: {  	[tilespmem:s8+$0xC400] =	vst v0  }
0x80: {  	s8 =	sor.u32 $0x380, s13;
	[tilespmem:s15+$0x4400] =	vst v0  }
0x81: {  	s12 =	sor.u32 $0x300, s13;
	[tilespmem:s15+$0xC400] =	vst v0  }
0x82: {  	[tilespmem:s29+$0x4580] =	vst v0  }
0x83: {  	[tilespmem:s29+$0xC580] =	vst v0  }
0x84: {  	[tilespmem:s29+$0xC5A0] =	vst v0  }
0x85: {  	[tilespmem:s29+$0x4420] =	vst v0  }
0x86: {  	[tilespmem:s29+$0x45A0] =	vst v0  }
0x87: {  	[tilespmem:s29+$0x4480] =	vst v0  }
0x88: {  	[tilespmem:s29+$0xC520] =	vst v0  }
0x89: {  	[tilespmem:s29+$0x4520] =	vst v0  }
0x8a: {  	[tilespmem:s29+$0xC4A0] =	vst v0  }
0x8b: {  	[tilespmem:s29+$0x44A0] =	vst v0  }
0x8c: {  	[tilespmem:s29+$0xC420] =	vst v0  }
0x8d: {  	[tilespmem:s31+$0xC400] =	vst v0  }
0x8e: {  	[tilespmem:s30+$0x4400] =	vst v0  }
0x8f: {  	[tilespmem:s30+$0xC400] =	vst v0  }
0x90: {  	[tilespmem:s31+$0x4400] =	vst v0  }
0x91: {  	[tilespmem:s14+$0x4400] =	vst v0  }
0x92: {  	[tilespmem:s14+$0xC400] =	vst v0  }
0x93: {  	[tilespmem:s7+$0x4400] =	vst v0  }
0x94: {  	[tilespmem:s7+$0xC400] =	vst v0  }
0x95: {  	[tilespmem:s10+$0x4400] =	vst v0  }
0x96: {  	[tilespmem:s10+$0xC400] =	vst v0  }
0x97: {  	[tilespmem:s23+$0x4400] =	vst v0  }
0x98: {  	[tilespmem:s23+$0xC400] =	vst v0  }
0x99: {  	s7 =	sor.u32 $0x380, s25;
	[tilespmem:s12+$0x4400] =	vst v0  }
0x9a: {  	[tilespmem:s7+$0x4400] =	vst v0  }
0x9b: {  	[tilespmem:s7+$0xC400] =	vst v0  }
0x9c: {  	[tilespmem:s12+$0xC400] =	vst v0  }
0x9d: {  	[tilespmem:s8+$0x4400] =	vst v0  }
.Ltmp2:
0x9e: {  	s7 =	sor.u32 $0x280, s28;
	[tilespmem:s8+$0xC400] =	vst v0;
	(pc) =	sbr.rel @p1 .LBB2_2-.Ltmp2, $4  }
0x9f: {  	[tilespmem:s7+$0xC400] =	vst v0  }
0xa0: {  	[tilespmem:s7+$0x4400] =	vst v0;
	s7 =	sor.u32 $0x300, s28  }
0xa1: {  	s1 =	sadd.s32 $0x40, s1;
	s25 =	simm.s32 $0x0;
	[tilespmem:s7+$0x4400] =	vst v0  }
0xa2: {  	p0 =	por !p0, !p0;
	s26 =	sadd.s32 $0x200, s26;
	[tilespmem:s7+$0xC400] =	vst v0;
	s7 =	sor.u32 $0x380, s28  }
0xa3: {  	[tilespmem:s7+$0x4400] =	vst v0  }
0xa4: {  	[tilespmem:s7+$0xC400] =	vst v0  }
.LBB2_4:
0xa5: {  	_ =	swait.ge [sflag:s18], $0x2000  }
0xa6: {  	p0 =	seq.s32 s25, $0x0;
	[sflag:s18] =	ssyncset.done $0x0  }
0xa7: {  	s0 =	simm.s32 @!p0 $0x3;
	[sflag:s18] =	ssyncadd.s32 $0xFFFFE000  }
0xa8: {  	_ =	swait.ge @!p0 [sflag:s0], $0x8000  }
0xa9: {  	[sflag:s0] =	ssyncset.done @!p0 $0x0  }
0xaa: {  	s14 =	simm.s32 $0x40;
	[sflag:s0] =	ssyncadd.s32 @!p0 $0xFFFF8000  }
0xab: {  	v1 =	vld [tilespmem:s14+$0x30]  }
0xac: {  	v2 =	vld [tilespmem:s14+$0xFFFFFFD0]  }
0xad: {  	v3 =	vld [tilespmem:s14+$0xFFFFFFE0]  }
0xae: {  	v4 =	vld [tilespmem:s14+$0xFFFFFFF0]  }
0xaf: {  	s26 =	simm.s32 $0x600;
	v7 =	vld [tilespmem:s14+$0x0]  }
0xb0: {  	v6 =	vld [tilespmem:s26+$0xFFFFFE70]  }
0xb1: {  	v9 =	vld [tilespmem:s14+$0x10]  }
0xb2: {  	v10 =	vld [tilespmem:s14+$0x20];
	v5 =	vshll.u32 v1, $0x3  }
0xb3: {  	v12 =	vld [tilespmem:s26+$0xFFFFFE00];
	v1 =	vand.u32 $0x7F, v1;
	v5 =	vand.u32 $0xFFFFFC00, v5  }
0xb4: {  	v1 =	vor.u32 v1, v5;
	v5 =	vld [tilespmem:s14+$0xFFFFFFC0]  }
0xb5: {  	v14 =	vld [tilespmem:s26+$0xFFFFFE10]  }
0xb6: {  	v17 =	vld [tilespmem:s26+$0xFFFFFE20];
	v8 =	vshll.u32 v2, $0x3  }
0xb7: {  	s15 =	simm.s32 $0xC0;
	v19 =	vld [tilespmem:s26+$0xFFFFFE30];
	v11 =	vshll.u32 v3, $0x3;
	v2 =	vand.u32 $0x7F, v2;
	v13 =	vshll.u32 v4, $0x3  }
0xb8: {  	v23 =	vld [tilespmem:s15+$0x10];
	v3 =	vand.u32 $0x7F, v3;
	v18 =	vshll.u32 v7, $0x3;
	v8 =	vand.u32 $0xFFFFFC00, v8  }
0xb9: {  	v26 =	vld [tilespmem:s15+$0x20];
	v4 =	vand.u32 $0x7F, v4;
	v2 =	vor.u32 v2, v8;
	[tilespmem:v1+s19+$0x0] =	vst.idx.msk $0xffff, v6;
	v6 =	vshll.u32 v5, $0x3  }
0xba: {  	s28 =	simm.s32 $0xA00;
	v16 =	vor.u32 $0x80, v1;
	v5 =	vand.u32 $0x7F, v5;
	v15 =	vld [tilespmem:s26+$0xFFFFFEF0];
	v6 =	vand.u32 $0xFFFFFC00, v6  }
0xbb: {  	v27 =	vld [tilespmem:s28+$0xFFFFFE70];
	v11 =	vand.u32 $0xFFFFFC00, v11;
	v13 =	vand.u32 $0xFFFFFC00, v13;
	v8 =	vor.u32 v5, v6  }
0xbc: {  	v28 =	vld [tilespmem:s15+$0xFFFFFFC0];
	v5 =	vand.u32 $0xFFFFFC00, v18;
	v6 =	vor.u32 v3, v11;
	v3 =	vshll.u32 v9, $0x3  }
0xbd: {  	v46 =	vld [tilespmem:s28+$0xFFFFFE20];
	v18 =	vand.u32 $0x7F, v7;
	v7 =	vor.u32 v4, v13;
	v9 =	vand.u32 $0x7F, v9  }
0xbe: {  	[tilespmem:v2+s19+$0x0] =	vst.idx.msk $0xffff, v14;
	v11 =	vld [tilespmem:s26+$0xFFFFFE40];
	v4 =	vand.u32 $0xFFFFFC00, v3;
	v3 =	vor.u32 v18, v5;
	v5 =	vshll.u32 v10, $0x3  }
0xbf: {  	v13 =	vld [tilespmem:s26+$0xFFFFFE50];
	v10 =	vand.u32 $0x7F, v10;
	v5 =	vand.u32 $0xFFFFFC00, v5;
	v4 =	vor.u32 v9, v4;
	[tilespmem:v16+s19+$0x0] =	vst.idx.msk $0xffff, v15  }
0xc0: {  	v18 =	vld [tilespmem:s26+$0xFFFFFE60];
	v5 =	vor.u32 v10, v5;
	[tilespmem:v8+s19+$0x0] =	vst.idx.msk $0xffff, v12  }
0xc1: {  	v15 =	vor.u32 $0x100, v1;
	v14 =	vld [tilespmem:s26+$0xFFFFFF70];
	[tilespmem:v6+s19+$0x0] =	vst.idx.msk $0xffff, v17  }
0xc2: {  	v9 =	vld [tilespmem:s26+$0xFFFFFE90];
	[tilespmem:v7+s19+$0x0] =	vst.idx.msk $0xffff, v19;
	v17 =	vor.u32 $0x80, v2  }
0xc3: {  	v12 =	vor.u32 $0x80, v8;
	v10 =	vld [tilespmem:s26+$0xFFFFFE80];
	[tilespmem:v3+s19+$0x0] =	vst.idx.msk $0xffff, v11  }
0xc4: {  	v16 =	vld [tilespmem:s26+$0xFFFFFEA0];
	v11 =	vor.u32 $0x80, v6;
	[tilespmem:v4+s19+$0x0] =	vst.idx.msk $0xffff, v13  }
0xc5: {  	v20 =	vld [tilespmem:s26+$0xFFFFFEC0];
	[tilespmem:v5+s19+$0x0] =	vst.idx.msk $0xffff, v18;
	v18 =	vor.u32 $0x80, v3  }
0xc6: {  	v19 =	vld [tilespmem:s26+$0xFFFFFEB0];
	[tilespmem:v15+s19+$0x0] =	vst.idx.msk $0xffff, v14;
	v15 =	vor.u32 $0x80, v7  }
0xc7: {  	v14 =	vor.u32 $0x180, v1;
	[tilespmem:v17+s19+$0x0] =	vst.idx.msk $0xffff, v9;
	v13 =	vld [tilespmem:s26+$0xFFFFFFF0]  }
0xc8: {  	v21 =	vld [tilespmem:s26+$0xFFFFFED0];
	[tilespmem:v12+s19+$0x0] =	vst.idx.msk $0xffff, v10;
	v12 =	vor.u32 $0x80, v4  }
0xc9: {  	v9 =	vor.u32 $0x80, v5;
	v10 =	vld [tilespmem:s26+$0xFFFFFEE0];
	[tilespmem:v11+s19+$0x0] =	vst.idx.msk $0xffff, v16  }
0xca: {  	v11 =	vor.u32 $0x100, v8;
	v22 =	vld [tilespmem:s26+$0xFFFFFF00];
	[tilespmem:v18+s19+$0x0] =	vst.idx.msk $0xffff, v20  }
0xcb: {  	v16 =	vld [tilespmem:s26+$0xFFFFFF20];
	v18 =	vor.u32 $0x100, v6;
	[tilespmem:v15+s19+$0x0] =	vst.idx.msk $0xffff, v19  }
0xcc: {  	v17 =	vld [tilespmem:s26+$0xFFFFFF10];
	v15 =	vor.u32 $0x100, v2;
	[tilespmem:v14+s19+$0x0] =	vst.idx.msk $0xffff, v13  }
0xcd: {  	v19 =	vld [tilespmem:s26+$0xFFFFFF30];
	[tilespmem:v12+s19+$0x0] =	vst.idx.msk $0xffff, v21;
	v12 =	vor.u32 $0x100, v7  }
0xce: {  	v20 =	vld [tilespmem:s26+$0xFFFFFF40];
	[tilespmem:v9+s19+$0x0] =	vst.idx.msk $0xffff, v10;
	v9 =	vor.u32 $0x100, v3  }
0xcf: {  	v14 =	vor.u32 $0x200, v1;
	v13 =	vld [tilespmem:s26+$0x70];
	[tilespmem:v11+s19+$0x0] =	vst.idx.msk $0xffff, v22  }
0xd0: {  	v21 =	vld [tilespmem:s26+$0xFFFFFF50];
	v11 =	vor.u32 $0x100, v4;
	[tilespmem:v18+s19+$0x0] =	vst.idx.msk $0xffff, v16  }
0xd1: {  	v22 =	vld [tilespmem:s26+$0xFFFFFF80];
	v16 =	vor.u32 $0x180, v8;
	[tilespmem:v15+s19+$0x0] =	vst.idx.msk $0xffff, v17  }
0xd2: {  	v10 =	vld [tilespmem:s26+$0xFFFFFF60];
	v15 =	vor.u32 $0x100, v5;
	[tilespmem:v12+s19+$0x0] =	vst.idx.msk $0xffff, v19  }
0xd3: {  	v17 =	vld [tilespmem:s26+$0xFFFFFF90];
	v12 =	vor.u32 $0x180, v2;
	[tilespmem:v9+s19+$0x0] =	vst.idx.msk $0xffff, v20  }
0xd4: {  	v18 =	vld [tilespmem:s26+$0xFFFFFFA0];
	v9 =	vor.u32 $0x180, v6;
	[tilespmem:v14+s19+$0x0] =	vst.idx.msk $0xffff, v13  }
0xd5: {  	v14 =	vor.u32 $0x280, v1;
	[tilespmem:v11+s19+$0x0] =	vst.idx.msk $0xffff, v21;
	v13 =	vld [tilespmem:s26+$0xF0]  }
0xd6: {  	v19 =	vld [tilespmem:s26+$0xFFFFFFB0];
	v11 =	vor.u32 $0x180, v7;
	[tilespmem:v16+s19+$0x0] =	vst.idx.msk $0xffff, v22  }
0xd7: {  	v21 =	vld [tilespmem:s26+$0xFFFFFFD0];
	v16 =	vor.u32 $0x180, v4;
	[tilespmem:v15+s19+$0x0] =	vst.idx.msk $0xffff, v10  }
0xd8: {  	v15 =	vld [tilespmem:s26+$0xFFFFFFE0];
	[tilespmem:v12+s19+$0x0] =	vst.idx.msk $0xffff, v17;
	v12 =	vor.u32 $0x180, v5  }
0xd9: {  	v22 =	vld [tilespmem:s26+$0x0];
	[tilespmem:v9+s19+$0x0] =	vst.idx.msk $0xffff, v18;
	v9 =	vor.u32 $0x200, v8  }
0xda: {  	v20 =	vld [tilespmem:s26+$0xFFFFFFC0];
	[tilespmem:v14+s19+$0x0] =	vst.idx.msk $0xffff, v13;
	v14 =	vor.u32 $0x180, v3  }
0xdb: {  	[tilespmem:v11+s19+$0x0] =	vst.idx.msk $0xffff, v19;
	v13 =	vor.u32 $0x300, v1;
	v10 =	vld [tilespmem:s26+$0x170]  }
0xdc: {  	v17 =	vld [tilespmem:s26+$0x10];
	v11 =	vor.u32 $0x200, v2;
	[tilespmem:v16+s19+$0x0] =	vst.idx.msk $0xffff, v21  }
0xdd: {  	v21 =	vld [tilespmem:s26+$0x50];
	[tilespmem:v12+s19+$0x0] =	vst.idx.msk $0xffff, v15;
	v12 =	vor.u32 $0x200, v4  }
0xde: {  	[tilespmem:v9+s19+$0x0] =	vst.idx.msk $0xffff, v22;
	v15 =	vor.u32 $0x200, v5;
	v9 =	vld [tilespmem:s26+$0x60]  }
0xdf: {  	v19 =	vld [tilespmem:s26+$0x30];
	[tilespmem:v14+s19+$0x0] =	vst.idx.msk $0xffff, v20;
	v14 =	vor.u32 $0x200, v7  }
0xe0: {  	v18 =	vld [tilespmem:s26+$0x20];
	[tilespmem:v13+s19+$0x0] =	vst.idx.msk $0xffff, v10;
	v10 =	vor.u32 $0x200, v6  }
0xe1: {  	v16 =	vor.u32 $0x200, v3;
	[tilespmem:v11+s19+$0x0] =	vst.idx.msk $0xffff, v17;
	v20 =	vld [tilespmem:s26+$0x40]  }
0xe2: {  	v22 =	vld [tilespmem:s26+$0x80];
	[tilespmem:v12+s19+$0x0] =	vst.idx.msk $0xffff, v21  }
0xe3: {  	v11 =	vor.u32 $0x280, v8;
	v17 =	vld [tilespmem:s26+$0x90];
	[tilespmem:v15+s19+$0x0] =	vst.idx.msk $0xffff, v9  }
0xe4: {  	v21 =	vld [tilespmem:s26+$0xD0];
	v9 =	vor.u32 $0x280, v4;
	[tilespmem:v14+s19+$0x0] =	vst.idx.msk $0xffff, v19  }
0xe5: {  	v13 =	vld [tilespmem:s26+$0x1F0];
	[tilespmem:v10+s19+$0x0] =	vst.idx.msk $0xffff, v18;
	v10 =	vor.u32 $0x280, v2  }
0xe6: {  	v19 =	vld [tilespmem:s26+$0xB0];
	[tilespmem:v16+s19+$0x0] =	vst.idx.msk $0xffff, v20;
	v16 =	vor.u32 $0x280, v7  }
0xe7: {  	v12 =	vor.u32 $0x280, v3;
	v20 =	vld [tilespmem:s26+$0xC0]  }
0xe8: {  	[tilespmem:v11+s19+$0x0] =	vst.idx.msk $0xffff, v22;
	v14 =	vor.u32 $0x280, v6;
	v18 =	vld [tilespmem:s26+$0xA0]  }
0xe9: {  	v11 =	vld [tilespmem:s26+$0xE0];
	[tilespmem:v9+s19+$0x0] =	vst.idx.msk $0xffff, v21  }
0xea: {  	v15 =	vor.u32 $0x280, v5;
	v22 =	vld [tilespmem:s26+$0x100];
	[tilespmem:v10+s19+$0x0] =	vst.idx.msk $0xffff, v17  }
0xeb: {  	v9 =	vld [tilespmem:s26+$0x150];
	v10 =	vor.u32 $0x300, v8;
	[tilespmem:v16+s19+$0x0] =	vst.idx.msk $0xffff, v19  }
0xec: {  	v19 =	vld [tilespmem:s26+$0x130];
	[tilespmem:v12+s19+$0x0] =	vst.idx.msk $0xffff, v20;
	v12 =	vor.u32 $0x300, v7  }
0xed: {  	v17 =	vld [tilespmem:s26+$0x110];
	[tilespmem:v14+s19+$0x0] =	vst.idx.msk $0xffff, v18;
	v14 =	vor.u32 $0x300, v2  }
0xee: {  	v18 =	vld [tilespmem:s26+$0x120]  }
0xef: {  	[tilespmem:v15+s19+$0x0] =	vst.idx.msk $0xffff, v11;
	v16 =	vor.u32 $0x300, v6;
	v20 =	vld [tilespmem:s26+$0x140]  }
0xf0: {  	[tilespmem:v10+s19+$0x0] =	vst.idx.msk $0xffff, v22;
	v10 =	vld [tilespmem:s26+$0x160]  }
0xf1: {  	v1 =	vor.u32 $0x380, v1;
	[tilespmem:v12+s19+$0x0] =	vst.idx.msk $0xffff, v19;
	v12 =	vld [tilespmem:s15+$0x30]  }
0xf2: {  	v25 =	vor.u32 $0x300, v4;
	[tilespmem:v14+s19+$0x0] =	vst.idx.msk $0xffff, v17;
	v17 =	vld [tilespmem:s15+$0xFFFFFFD0]  }
0xf3: {  	v22 =	vor.u32 $0x300, v3;
	v19 =	vld [tilespmem:s15+$0xFFFFFFF0]  }
0xf4: {  	v45 =	vor.u32 $0x300, v5;
	[tilespmem:v16+s19+$0x0] =	vst.idx.msk $0xffff, v18;
	v18 =	vld [tilespmem:s15+$0xFFFFFFE0]  }
0xf5: {  	v8 =	vor.u32 $0x380, v8;
	v11 =	vld [tilespmem:s26+$0x180]  }
0xf6: {  	[tilespmem:v1+s19+$0x0] =	vst.idx.msk $0xffff, v13;
	v1 =	vor.u32 $0x380, v2;
	v14 =	vld [tilespmem:s26+$0x190];
	v24 =	vshll.u32 v12, $0x3  }
0xf7: {  	v2 =	vor.u32 $0x380, v6;
	[tilespmem:v25+s19+$0x0] =	vst.idx.msk $0xffff, v9;
	v15 =	vld [tilespmem:s26+$0x1A0];
	v12 =	vand.u32 $0x7F, v12;
	v24 =	vand.u32 $0xFFFFFC00, v24  }
0xf8: {  	v21 =	vld [tilespmem:s15+$0x0];
	[tilespmem:v22+s19+$0x0] =	vst.idx.msk $0xffff, v20;
	v22 =	vor.u32 $0x380, v7;
	v6 =	vshll.u32 v17, $0x3;
	v12 =	vor.u32 v12, v24  }
0xf9: {  	v30 =	vld [tilespmem:s28+$0xFFFFFE30];
	[tilespmem:v45+s19+$0x0] =	vst.idx.msk $0xffff, v10;
	v9 =	vand.u32 $0x7F, v17;
	v29 =	vshll.u32 v19, $0x3;
	v7 =	vshll.u32 v18, $0x3  }
0xfa: {  	v16 =	vld [tilespmem:s26+$0x1B0];
	[tilespmem:v8+s19+$0x0] =	vst.idx.msk $0xffff, v11;
	v6 =	vand.u32 $0xFFFFFC00, v6;
	v17 =	vand.u32 $0xFFFFFC00, v7;
	v7 =	vshll.u32 v28, $0x3  }
0xfb: {  	v20 =	vld [tilespmem:s28+$0xFFFFFE10];
	v8 =	vand.u32 $0x7F, v28;
	[tilespmem:v1+s19+$0x0] =	vst.idx.msk $0xffff, v14;
	v11 =	vand.u32 $0xFFFFFC00, v7;
	v7 =	vor.u32 v9, v6  }
0xfc: {  	v13 =	vld [tilespmem:s28+$0xFFFFFE00];
	v10 =	vand.u32 $0x7F, v18;
	v1 =	vand.u32 $0xFFFFFC00, v29;
	[tilespmem:v2+s19+$0x0] =	vst.idx.msk $0xffff, v15;
	v9 =	vor.u32 v8, v11  }
0xfd: {  	v48 =	vld [tilespmem:s28+$0xFFFFFE50];
	v14 =	vshll.u32 v21, $0x3;
	v2 =	vand.u32 $0x7F, v19;
	v8 =	vor.u32 v10, v17;
	[tilespmem:v12+s19+$0x0] =	vst.idx.msk $0xffff, v27  }
0xfe: {  	v14 =	vand.u32 $0xFFFFFC00, v14;
	v47 =	vor.u32 $0x80, v12;
	v10 =	vshll.u32 v23, $0x3;
	v18 =	vld [tilespmem:s28+$0xFFFFFEF0]  }
0xff: {  	v15 =	vld [tilespmem:s28+$0xFFFFFE60];
	[tilespmem:v22+s19+$0x0] =	vst.idx.msk $0xffff, v16;
	v16 =	vand.u32 $0x7F, v21;
	v11 =	vor.u32 v2, v1;
	v17 =	vand.u32 $0xFFFFFC00, v10  }
0x100: {  	v6 =	vld [tilespmem:s28+$0xFFFFFE40];
	v10 =	vor.u32 v16, v14;
	v14 =	vshll.u32 v26, $0x3;
	v16 =	vand.u32 $0x7F, v23;
	[tilespmem:v7+s19+$0x0] =	vst.idx.msk $0xffff, v20  }
0x101: {  	v19 =	vand.u32 $0x7F, v26;
	v1 =	vld [tilespmem:s26+$0x1C0];
	v14 =	vand.u32 $0xFFFFFC00, v14;
	v17 =	vor.u32 v16, v17;
	[tilespmem:v9+s19+$0x0] =	vst.idx.msk $0xffff, v13  }
0x102: {  	v2 =	vld [tilespmem:s26+$0x1D0];
	v19 =	vor.u32 v19, v14;
	[tilespmem:v8+s19+$0x0] =	vst.idx.msk $0xffff, v46  }
0x103: {  	v16 =	vor.u32 $0x80, v9;
	v14 =	vld [tilespmem:s28+$0xFFFFFE80];
	[tilespmem:v47+s19+$0x0] =	vst.idx.msk $0xffff, v18  }
0x104: {  	v20 =	vor.u32 $0x100, v12;
	[tilespmem:v11+s19+$0x0] =	vst.idx.msk $0xffff, v30;
	v18 =	vld [tilespmem:s28+$0xFFFFFF70]  }
0x105: {  	v22 =	vor.u32 $0x80, v7;
	v13 =	vld [tilespmem:s28+$0xFFFFFE90];
	[tilespmem:v10+s19+$0x0] =	vst.idx.msk $0xffff, v6  }
0x106: {  	v21 =	vld [tilespmem:s28+$0xFFFFFEA0];
	v6 =	vor.u32 $0x80, v8;
	[tilespmem:v17+s19+$0x0] =	vst.idx.msk $0xffff, v48  }
0x107: {  	v50 =	vor.u32 $0x80, v11;
	v23 =	vld [tilespmem:s28+$0xFFFFFEB0];
	[tilespmem:v19+s19+$0x0] =	vst.idx.msk $0xffff, v15  }
0x108: {  	v49 =	vld [tilespmem:s28+$0xFFFFFEC0];
	v15 =	vor.u32 $0x80, v10;
	[tilespmem:v16+s19+$0x0] =	vst.idx.msk $0xffff, v14  }
0x109: {  	v51 =	vld [tilespmem:s28+$0xFFFFFED0];
	v16 =	vor.u32 $0x80, v17;
	[tilespmem:v20+s19+$0x0] =	vst.idx.msk $0xffff, v18  }
0x10a: {  	[tilespmem:v22+s19+$0x0] =	vst.idx.msk $0xffff, v13;
	v20 =	vor.u32 $0x180, v12;
	v18 =	vld [tilespmem:s28+$0xFFFFFFF0]  }
0x10b: {  	v13 =	vor.u32 $0x80, v19;
	v14 =	vld [tilespmem:s28+$0xFFFFFEE0];
	[tilespmem:v6+s19+$0x0] =	vst.idx.msk $0xffff, v21  }
0x10c: {  	v22 =	vld [tilespmem:s28+$0xFFFFFF10];
	[tilespmem:v50+s19+$0x0] =	vst.idx.msk $0xffff, v23;
	v23 =	vor.u32 $0x100, v7  }
0x10d: {  	v6 =	vor.u32 $0x100, v9;
	v52 =	vld [tilespmem:s28+$0xFFFFFF00];
	[tilespmem:v15+s19+$0x0] =	vst.idx.msk $0xffff, v49  }
0x10e: {  	v21 =	vld [tilespmem:s28+$0xFFFFFF20];
	v15 =	vor.u32 $0x100, v8;
	[tilespmem:v16+s19+$0x0] =	vst.idx.msk $0xffff, v51  }
0x10f: {  	v25 =	vld [tilespmem:s28+$0xFFFFFF30];
	v16 =	vor.u32 $0x100, v11;
	[tilespmem:v20+s19+$0x0] =	vst.idx.msk $0xffff, v18  }
0x110: {  	[tilespmem:v13+s19+$0x0] =	vst.idx.msk $0xffff, v14;
	v20 =	vor.u32 $0x200, v12;
	v18 =	vld [tilespmem:s28+$0x70]  }
0x111: {  	v24 =	vld [tilespmem:s28+$0xFFFFFF40];
	v13 =	vor.u32 $0x100, v10;
	[tilespmem:v23+s19+$0x0] =	vst.idx.msk $0xffff, v22  }
0x112: {  	v14 =	vor.u32 $0x100, v17;
	v26 =	vld [tilespmem:s28+$0xFFFFFF50];
	[tilespmem:v6+s19+$0x0] =	vst.idx.msk $0xffff, v52  }
0x113: {  	v22 =	vor.u32 $0x100, v19;
	v6 =	vld [tilespmem:s28+$0xFFFFFF60];
	[tilespmem:v15+s19+$0x0] =	vst.idx.msk $0xffff, v21  }
0x114: {  	v27 =	vld [tilespmem:s28+$0xFFFFFF80];
	v15 =	vor.u32 $0x180, v9;
	[tilespmem:v16+s19+$0x0] =	vst.idx.msk $0xffff, v25  }
0x115: {  	v23 =	vld [tilespmem:s28+$0xFFFFFF90];
	v16 =	vor.u32 $0x180, v7;
	[tilespmem:v20+s19+$0x0] =	vst.idx.msk $0xffff, v18  }
0x116: {  	[tilespmem:v13+s19+$0x0] =	vst.idx.msk $0xffff, v24;
	v20 =	vor.u32 $0x280, v12;
	v18 =	vld [tilespmem:s28+$0xF0]  }
0x117: {  	v21 =	vld [tilespmem:s28+$0xFFFFFFA0];
	v13 =	vor.u32 $0x180, v8;
	[tilespmem:v14+s19+$0x0] =	vst.idx.msk $0xffff, v26  }
0x118: {  	v25 =	vld [tilespmem:s28+$0xFFFFFFB0];
	v14 =	vor.u32 $0x180, v11;
	[tilespmem:v22+s19+$0x0] =	vst.idx.msk $0xffff, v6  }
0x119: {  	v22 =	vor.u32 $0x180, v17;
	v26 =	vld [tilespmem:s28+$0xFFFFFFD0];
	[tilespmem:v15+s19+$0x0] =	vst.idx.msk $0xffff, v27  }
0x11a: {  	v15 =	vld [tilespmem:s28+$0xFFFFFFE0];
	[tilespmem:v16+s19+$0x0] =	vst.idx.msk $0xffff, v23;
	v16 =	vor.u32 $0x180, v19  }
0x11b: {  	v24 =	vld [tilespmem:s28+$0xFFFFFFC0];
	[tilespmem:v20+s19+$0x0] =	vst.idx.msk $0xffff, v18;
	v20 =	vor.u32 $0x180, v10  }
0x11c: {  	[tilespmem:v13+s19+$0x0] =	vst.idx.msk $0xffff, v21;
	v18 =	vor.u32 $0x300, v12;
	v6 =	vld [tilespmem:s28+$0x170]  }
0x11d: {  	v27 =	vld [tilespmem:s28+$0x0];
	[tilespmem:v14+s19+$0x0] =	vst.idx.msk $0xffff, v25  }
0x11e: {  	v13 =	vor.u32 $0x200, v9;
	v23 =	vld [tilespmem:s28+$0x10];
	[tilespmem:v22+s19+$0x0] =	vst.idx.msk $0xffff, v26  }
0x11f: {  	v21 =	vld [tilespmem:s28+$0x20];
	v14 =	vor.u32 $0x200, v7;
	[tilespmem:v16+s19+$0x0] =	vst.idx.msk $0xffff, v15  }
0x120: {  	v25 =	vld [tilespmem:s28+$0x30];
	v22 =	vor.u32 $0x200, v11;
	[tilespmem:v20+s19+$0x0] =	vst.idx.msk $0xffff, v24  }
0x121: {  	v15 =	vor.u32 $0x200, v10;
	[tilespmem:v18+s19+$0x0] =	vst.idx.msk $0xffff, v6;
	v20 =	vld [tilespmem:s28+$0x40]  }
0x122: {  	v12 =	vor.u32 $0x380, v12;
	v6 =	vld [tilespmem:s28+$0x1F0]  }
0x123: {  	v53 =	vld [tilespmem:s28+$0x50];
	[tilespmem:v13+s19+$0x0] =	vst.idx.msk $0xffff, v27;
	v18 =	vor.u32 $0x200, v8  }
0x124: {  	v54 =	vor.u32 $0x200, v17;
	v13 =	vld [tilespmem:s26+$0x1E0];
	[tilespmem:v14+s19+$0x0] =	vst.idx.msk $0xffff, v23  }
0x125: {  	v16 =	vld [tilespmem:s28+$0x60];
	v14 =	vor.u32 $0x200, v19;
	[tilespmem:v22+s19+$0x0] =	vst.idx.msk $0xffff, v25  }
0x126: {  	v22 =	vld [tilespmem:s28+$0xB0];
	[tilespmem:v15+s19+$0x0] =	vst.idx.msk $0xffff, v20;
	v15 =	vor.u32 $0x280, v11  }
0x127: {  	v27 =	vld [tilespmem:s28+$0x80];
	[tilespmem:v12+s19+$0x0] =	vst.idx.msk $0xffff, v6;
	v6 =	vor.u32 $0x280, v9  }
0x128: {  	v23 =	vld [tilespmem:s28+$0x90];
	[tilespmem:v18+s19+$0x0] =	vst.idx.msk $0xffff, v21;
	v12 =	vor.u32 $0x280, v7  }
0x129: {  	[tilespmem:v54+s19+$0x0] =	vst.idx.msk $0xffff, v53;
	v21 =	vor.u32 $0x280, v8;
	v18 =	vld [tilespmem:s28+$0xA0]  }
0x12a: {  	v56 =	vld [tilespmem:s28+$0xD0];
	[tilespmem:v14+s19+$0x0] =	vst.idx.msk $0xffff, v16;
	v14 =	vor.u32 $0x280, v17  }
0x12b: {  	v55 =	vor.u32 $0x280, v10;
	v20 =	vld [tilespmem:s28+$0xC0];
	[tilespmem:v15+s19+$0x0] =	vst.idx.msk $0xffff, v22  }
0x12c: {  	v16 =	vor.u32 $0x280, v19;
	[tilespmem:v6+s19+$0x0] =	vst.idx.msk $0xffff, v27;
	v6 =	vld [tilespmem:s28+$0xE0]  }
0x12d: {  	v61 =	vor.u32 $0x300, v11;
	[tilespmem:v12+s19+$0x0] =	vst.idx.msk $0xffff, v23;
	v60 =	vld [tilespmem:s28+$0x130]  }
0x12e: {  	v12 =	vor.u32 $0x300, v9;
	[tilespmem:v21+s19+$0x0] =	vst.idx.msk $0xffff, v18;
	v57 =	vld [tilespmem:s28+$0x100]  }
0x12f: {  	[tilespmem:v14+s19+$0x0] =	vst.idx.msk $0xffff, v56;
	v15 =	vor.u32 $0x300, v8;
	v59 =	vld [tilespmem:s28+$0x120]  }
0x130: {  	v18 =	vor.u32 $0x300, v7;
	[tilespmem:v55+s19+$0x0] =	vst.idx.msk $0xffff, v20;
	v58 =	vld [tilespmem:s28+$0x110]  }
0x131: {  	v23 =	vld [tilespmem:s28+$0x150];
	[tilespmem:v16+s19+$0x0] =	vst.idx.msk $0xffff, v6  }
0x132: {  	v63 =	vor.u32 $0x300, v10;
	v62 =	vld [tilespmem:s28+$0x140];
	[tilespmem:v61+s19+$0x0] =	vst.idx.msk $0xffff, v60  }
0x133: {  	v14 =	vor.u32 $0x300, v17;
	[tilespmem:v12+s19+$0x0] =	vst.idx.msk $0xffff, v57;
	v21 =	vld [tilespmem:s28+$0x160]  }
0x134: {  	v16 =	vor.u32 $0x300, v19;
	[tilespmem:v15+s19+$0x0] =	vst.idx.msk $0xffff, v59;
	v15 =	vor.u32 $0x380, v8;
	v8 =	vor.u32 $0x380, v17;
	v17 =	vld [tilespmem:s28+$0x1B0]  }
0x135: {  	v6 =	vor.u32 $0x380, v3;
	v3 =	vor.u32 $0x380, v5;
	[tilespmem:v18+s19+$0x0] =	vst.idx.msk $0xffff, v58;
	v12 =	vor.u32 $0x380, v9;
	v5 =	vld [tilespmem:s28+$0x180]  }
0x136: {  	s23 =	sshrl.u32 s25, $0x1;
	s31 =	simm.s32 $0x8;
	s30 =	simm.s32 $0xA00;
	v4 =	vor.u32 $0x380, v4;
	v18 =	vor.u32 $0x380, v7;
	v20 =	vld [tilespmem:s28+$0x190]  }
0x137: {  	s29 =	sor.u32 s6, s23;
	s0 =	simm.s32 $0x140;
	s26 =	sshll.u32 s25, $0x1;
	v11 =	vor.u32 $0x380, v11;
	v9 =	vor.u32 $0x380, v10;
	v7 =	vor.u32 $0x380, v19;
	[tilespmem:v63+s19+$0x0] =	vst.idx.msk $0xffff, v62;
	v22 =	vld [tilespmem:s28+$0x1A0]  }
.LBB2_5:
0x138: {  	v10 =	vld [tilespmem:s0+$0x30];
	s31 =	sadd.s32 $0x8, s31;
	[tilespmem:v14+s19+$0x0] =	vst.idx.msk $0xffff, v23  }
0x139: {  	v14 =	vld [tilespmem:s0+$0xFFFFFFD0];
	p1 =	slt.u32 s31, $0x38;
	[tilespmem:v16+s19+$0x0] =	vst.idx.msk $0xffff, v21  }
0x13a: {  	v16 =	vld [tilespmem:s0+$0xFFFFFFE0];
	[tilespmem:v12+s19+$0x0] =	vst.idx.msk $0xffff, v5  }
0x13b: {  	v12 =	vld [tilespmem:s0+$0xFFFFFFF0];
	[tilespmem:v18+s19+$0x0] =	vst.idx.msk $0xffff, v20  }
0x13c: {  	v18 =	vld [tilespmem:s0+$0x0];
	[tilespmem:v15+s19+$0x0] =	vst.idx.msk $0xffff, v22  }
0x13d: {  	v15 =	vld [tilespmem:s0+$0x10];
	v5 =	vshll.u32 v10, $0x3;
	[tilespmem:v11+s19+$0x0] =	vst.idx.msk $0xffff, v17  }
0x13e: {  	s28 =	sadd.s32 $0x400, s28;
	v10 =	vand.u32 $0x7F, v10;
	v11 =	vshll.u32 v14, $0x3;
	v17 =	vld [tilespmem:s0+$0x20];
	v5 =	vand.u32 $0xFFFFFC00, v5;
	[tilespmem:v6+s19+$0x0] =	vst.idx.msk $0xffff, v1;
	v6 =	vmovc v9  }
0x13f: {  	v1 =	vand.u32 $0xFFFFFC00, v11;
	v9 =	vshll.u32 v16, $0x3;
	v11 =	vld [tilespmem:s28+$0xFFFFFE70];
	v5 =	vor.u32 v10, v5;
	[tilespmem:v4+s19+$0x0] =	vst.idx.msk $0xffff, v2;
	v4 =	vmovc v8  }
0x140: {  	v8 =	vand.u32 $0x7F, v14;
	v2 =	vld [tilespmem:s0+$0xFFFFFFC0];
	v9 =	vand.u32 $0xFFFFFC00, v9;
	v10 =	vshll.u32 v12, $0x3;
	[tilespmem:v3+s19+$0x0] =	vst.idx.msk $0xffff, v13;
	v3 =	vmovc v7  }
0x141: {  	v13 =	vand.u32 $0x7F, v16;
	v7 =	vld [tilespmem:s28+$0xFFFFFE00];
	v10 =	vand.u32 $0xFFFFFC00, v10;
	v14 =	vshll.u32 v18, $0x3  }
0x142: {  	v12 =	vand.u32 $0x7F, v12;
	v16 =	vld [tilespmem:s28+$0xFFFFFE10];
	v14 =	vand.u32 $0xFFFFFC00, v14;
	v19 =	vshll.u32 v15, $0x3  }
0x143: {  	v18 =	vand.u32 $0x7F, v18;
	v20 =	vld [tilespmem:s28+$0xFFFFFE20];
	v19 =	vand.u32 $0xFFFFFC00, v19;
	v21 =	vshll.u32 v17, $0x3  }
0x144: {  	v15 =	vand.u32 $0x7F, v15;
	v17 =	vand.u32 $0x7F, v17;
	v22 =	vld [tilespmem:s28+$0xFFFFFE30];
	v21 =	vand.u32 $0xFFFFFC00, v21;
	[tilespmem:v5+s19+$0x0] =	vst.idx.msk $0xffff, v11  }
0x145: {  	v24 =	vor.u32 $0x80, v5;
	v11 =	vand.u32 $0x7F, v2;
	v2 =	vshll.u32 v2, $0x3;
	v23 =	vld [tilespmem:s28+$0xFFFFFEF0]  }
0x146: {  	v8 =	vor.u32 v8, v1;
	v9 =	vor.u32 v13, v9;
	v2 =	vand.u32 $0xFFFFFC00, v2;
	v13 =	vld [tilespmem:s28+$0xFFFFFE40]  }
0x147: {  	v28 =	vor.u32 v12, v10;
	v29 =	vor.u32 v18, v14;
	v11 =	vor.u32 v11, v2;
	v10 =	vld [tilespmem:s28+$0xFFFFFE50]  }
0x148: {  	v30 =	vor.u32 v15, v19;
	v31 =	vor.u32 v17, v21;
	v12 =	vor.u32 $0x80, v11;
	v14 =	vld [tilespmem:s28+$0xFFFFFE60]  }
0x149: {  	v18 =	vor.u32 $0x80, v28;
	v15 =	vor.u32 $0x80, v8;
	v17 =	vor.u32 $0x80, v9;
	v1 =	vld [tilespmem:s30+$0x1C0]  }
0x14a: {  	v32 =	vor.u32 $0x80, v29;
	v33 =	vor.u32 $0x80, v30;
	v34 =	vor.u32 $0x80, v31;
	[tilespmem:v24+s19+$0x0] =	vst.idx.msk $0xffff, v23;
	v2 =	vld [tilespmem:s30+$0x1D0]  }
0x14b: {  	v36 =	vor.u32 $0x100, v8;
	v19 =	vor.u32 $0x100, v5;
	v35 =	vor.u32 $0x100, v11;
	[tilespmem:v8+s19+$0x0] =	vst.idx.msk $0xffff, v16;
	v16 =	vld [tilespmem:s28+$0xFFFFFF70]  }
0x14c: {  	v37 =	vor.u32 $0x100, v9;
	v38 =	vor.u32 $0x100, v28;
	v39 =	vor.u32 $0x100, v29;
	[tilespmem:v11+s19+$0x0] =	vst.idx.msk $0xffff, v7;
	v7 =	vld [tilespmem:s28+$0xFFFFFE90]  }
0x14d: {  	v41 =	vor.u32 $0x100, v30;
	v42 =	vor.u32 $0x100, v31;
	v40 =	vor.u32 $0x180, v11;
	v21 =	vld [tilespmem:s28+$0xFFFFFE80];
	[tilespmem:v9+s19+$0x0] =	vst.idx.msk $0xffff, v20  }
0x14e: {  	v43 =	vor.u32 $0x180, v8;
	v45 =	vor.u32 $0x180, v9;
	v46 =	vor.u32 $0x180, v28;
	v44 =	vld [tilespmem:s28+$0xFFFFFEA0];
	[tilespmem:v28+s19+$0x0] =	vst.idx.msk $0xffff, v22  }
0x14f: {  	v48 =	vor.u32 $0x180, v30;
	v49 =	vor.u32 $0x180, v31;
	v47 =	vld [tilespmem:s28+$0xFFFFFEB0];
	[tilespmem:v29+s19+$0x0] =	vst.idx.msk $0xffff, v13;
	v13 =	vor.u32 $0x180, v29  }
0x150: {  	v51 =	vor.u32 $0x200, v8;
	v52 =	vor.u32 $0x200, v9;
	v50 =	vor.u32 $0x200, v11;
	v53 =	vld [tilespmem:s28+$0xFFFFFEC0];
	[tilespmem:v19+s19+$0x0] =	vst.idx.msk $0xffff, v16  }
0x151: {  	v56 =	vor.u32 $0x180, v5;
	v54 =	vor.u32 $0x200, v28;
	v55 =	vor.u32 $0x200, v29;
	[tilespmem:v30+s19+$0x0] =	vst.idx.msk $0xffff, v10;
	v16 =	vld [tilespmem:s28+$0xFFFFFFF0]  }
0x152: {  	v58 =	vor.u32 $0x200, v30;
	v59 =	vor.u32 $0x200, v31;
	v25 =	vor.u32 $0x280, v11;
	v57 =	vld [tilespmem:s28+$0xFFFFFED0];
	[tilespmem:v31+s19+$0x0] =	vst.idx.msk $0xffff, v14  }
0x153: {  	v60 =	vor.u32 $0x280, v8;
	v26 =	vor.u32 $0x280, v9;
	v23 =	vor.u32 $0x280, v28;
	[tilespmem:v12+s19+$0x0] =	vst.idx.msk $0xffff, v21;
	v61 =	vld [tilespmem:s28+$0xFFFFFEE0]  }
0x154: {  	v27 =	vor.u32 $0x280, v29;
	v24 =	vor.u32 $0x280, v30;
	v22 =	vor.u32 $0x280, v31;
	v62 =	vld [tilespmem:s28+$0xFFFFFF00];
	[tilespmem:v15+s19+$0x0] =	vst.idx.msk $0xffff, v7  }
0x155: {  	v20 =	vor.u32 $0x300, v8;
	v21 =	vor.u32 $0x300, v11;
	v63 =	vld [tilespmem:s28+$0xFFFFFF10];
	[tilespmem:v17+s19+$0x0] =	vst.idx.msk $0xffff, v44;
	v17 =	vor.u32 $0x300, v9  }
0x156: {  	v19 =	vor.u32 $0x300, v28;
	v10 =	vor.u32 $0x300, v29;
	v14 =	vor.u32 $0x300, v30;
	v44 =	vld [tilespmem:s28+$0xFFFFFF20];
	[tilespmem:v56+s19+$0x0] =	vst.idx.msk $0xffff, v16  }
0x157: {  	v12 =	vor.u32 $0x380, v11;
	v16 =	vor.u32 $0x300, v31;
	v56 =	vor.u32 $0x200, v5;
	[tilespmem:v18+s19+$0x0] =	vst.idx.msk $0xffff, v47;
	v47 =	vld [tilespmem:s28+$0x70]  }
0x158: {  	v11 =	vor.u32 $0x380, v28;
	v15 =	vor.u32 $0x380, v9;
	v18 =	vor.u32 $0x380, v8;
	v0 =	vld [tilespmem:s28+$0xFFFFFF30];
	[tilespmem:v32+s19+$0x0] =	vst.idx.msk $0xffff, v53  }
0x159: {  	v7 =	vor.u32 $0x380, v31;
	v9 =	vor.u32 $0x380, v29;
	v8 =	vor.u32 $0x380, v30;
	v28 =	vld [tilespmem:s28+$0xFFFFFF40];
	[tilespmem:v33+s19+$0x0] =	vst.idx.msk $0xffff, v57  }
0x15a: {  	v29 =	vld [tilespmem:s28+$0xFFFFFF50];
	[tilespmem:v34+s19+$0x0] =	vst.idx.msk $0xffff, v61  }
0x15b: {  	[tilespmem:v35+s19+$0x0] =	vst.idx.msk $0xffff, v62;
	v30 =	vld [tilespmem:s28+$0xFFFFFF60]  }
0x15c: {  	v31 =	vld [tilespmem:s28+$0xFFFFFF80];
	[tilespmem:v56+s19+$0x0] =	vst.idx.msk $0xffff, v47  }
0x15d: {  	v33 =	vor.u32 $0x280, v5;
	[tilespmem:v36+s19+$0x0] =	vst.idx.msk $0xffff, v63;
	v32 =	vld [tilespmem:s28+$0xF0]  }
0x15e: {  	v34 =	vld [tilespmem:s28+$0xFFFFFF90];
	[tilespmem:v37+s19+$0x0] =	vst.idx.msk $0xffff, v44  }
0x15f: {  	v35 =	vld [tilespmem:s28+$0xFFFFFFA0];
	[tilespmem:v38+s19+$0x0] =	vst.idx.msk $0xffff, v0  }
0x160: {  	v0 =	vld [tilespmem:s28+$0xFFFFFFB0];
	[tilespmem:v39+s19+$0x0] =	vst.idx.msk $0xffff, v28  }
0x161: {  	v28 =	vld [tilespmem:s28+$0xFFFFFFC0];
	[tilespmem:v41+s19+$0x0] =	vst.idx.msk $0xffff, v29  }
0x162: {  	v29 =	vld [tilespmem:s28+$0xFFFFFFD0];
	[tilespmem:v33+s19+$0x0] =	vst.idx.msk $0xffff, v32  }
0x163: {  	v32 =	vor.u32 $0x300, v5;
	[tilespmem:v42+s19+$0x0] =	vst.idx.msk $0xffff, v30;
	v30 =	vld [tilespmem:s28+$0x170]  }
0x164: {  	[tilespmem:v40+s19+$0x0] =	vst.idx.msk $0xffff, v31;
	v31 =	vld [tilespmem:s28+$0xFFFFFFE0]  }
0x165: {  	v33 =	vld [tilespmem:s28+$0x0];
	[tilespmem:v43+s19+$0x0] =	vst.idx.msk $0xffff, v34  }
0x166: {  	v34 =	vld [tilespmem:s28+$0x10];
	[tilespmem:v45+s19+$0x0] =	vst.idx.msk $0xffff, v35  }
0x167: {  	v35 =	vld [tilespmem:s28+$0x20];
	[tilespmem:v46+s19+$0x0] =	vst.idx.msk $0xffff, v0  }
0x168: {  	v0 =	vld [tilespmem:s28+$0x30];
	[tilespmem:v32+s19+$0x0] =	vst.idx.msk $0xffff, v30  }
0x169: {  	v5 =	vor.u32 $0x380, v5;
	[tilespmem:v13+s19+$0x0] =	vst.idx.msk $0xffff, v28;
	v13 =	vld [tilespmem:s28+$0x1F0]  }
0x16a: {  	v28 =	vld [tilespmem:s28+$0x40];
	[tilespmem:v48+s19+$0x0] =	vst.idx.msk $0xffff, v29  }
0x16b: {  	v29 =	vld [tilespmem:s28+$0x50];
	[tilespmem:v49+s19+$0x0] =	vst.idx.msk $0xffff, v31  }
0x16c: {  	[tilespmem:v50+s19+$0x0] =	vst.idx.msk $0xffff, v33;
	v30 =	vld [tilespmem:s28+$0x60]  }
0x16d: {  	v31 =	vld [tilespmem:s28+$0x80];
	[tilespmem:v51+s19+$0x0] =	vst.idx.msk $0xffff, v34  }
0x16e: {  	v32 =	vld [tilespmem:s28+$0x90];
	[tilespmem:v5+s19+$0x0] =	vst.idx.msk $0xffff, v13  }
0x16f: {  	[tilespmem:v52+s19+$0x0] =	vst.idx.msk $0xffff, v35;
	v13 =	vld [tilespmem:s30+$0x1E0];
	s30 =	smov.u32 s28  }
0x170: {  	v5 =	vld [tilespmem:s28+$0xA0];
	[tilespmem:v54+s19+$0x0] =	vst.idx.msk $0xffff, v0  }
0x171: {  	v0 =	vld [tilespmem:s28+$0xB0];
	[tilespmem:v55+s19+$0x0] =	vst.idx.msk $0xffff, v28  }
0x172: {  	v28 =	vld [tilespmem:s28+$0xC0];
	[tilespmem:v58+s19+$0x0] =	vst.idx.msk $0xffff, v29  }
0x173: {  	v29 =	vld [tilespmem:s28+$0xD0];
	[tilespmem:v59+s19+$0x0] =	vst.idx.msk $0xffff, v30  }
0x174: {  	[tilespmem:v25+s19+$0x0] =	vst.idx.msk $0xffff, v31;
	v25 =	vld [tilespmem:s28+$0xE0]  }
0x175: {  	v30 =	vld [tilespmem:s28+$0x100];
	[tilespmem:v60+s19+$0x0] =	vst.idx.msk $0xffff, v32  }
0x176: {  	v31 =	vld [tilespmem:s28+$0x110];
	[tilespmem:v26+s19+$0x0] =	vst.idx.msk $0xffff, v5  }
0x177: {  	v26 =	vld [tilespmem:s28+$0x120];
	[tilespmem:v23+s19+$0x0] =	vst.idx.msk $0xffff, v0  }
0x178: {  	v0 =	vld [tilespmem:s28+$0x130];
	[tilespmem:v27+s19+$0x0] =	vst.idx.msk $0xffff, v28  }
0x179: {  	v27 =	vld [tilespmem:s28+$0x140];
	[tilespmem:v24+s19+$0x0] =	vst.idx.msk $0xffff, v29  }
0x17a: {  	v23 =	vld [tilespmem:s28+$0x150];
	[tilespmem:v22+s19+$0x0] =	vst.idx.msk $0xffff, v25  }
.Ltmp3:
0x17b: {  	[tilespmem:v21+s19+$0x0] =	vst.idx.msk $0xffff, v30;
	v21 =	vld [tilespmem:s28+$0x160];
	(pc) =	sbr.rel @p1 .LBB2_5-.Ltmp3, $4  }
0x17c: {  	v5 =	vld [tilespmem:s28+$0x180];
	[tilespmem:v20+s19+$0x0] =	vst.idx.msk $0xffff, v31  }
0x17d: {  	v20 =	vld [tilespmem:s28+$0x190];
	[tilespmem:v17+s19+$0x0] =	vst.idx.msk $0xffff, v26  }
0x17e: {  	v22 =	vld [tilespmem:s28+$0x1A0];
	[tilespmem:v19+s19+$0x0] =	vst.idx.msk $0xffff, v0  }
0x17f: {  	s0 =	sadd.s32 $0x80, s0;
	v17 =	vld [tilespmem:s28+$0x1B0];
	[tilespmem:v10+s19+$0x0] =	vst.idx.msk $0xffff, v27  }
0x180: {  	_ =	sdelay $0x3  }
0x181: {  	[tilespmem:v14+s19+$0x0] =	vst.idx.msk $0xffff, v23  }
0x182: {  	[tilespmem:v16+s19+$0x0] =	vst.idx.msk $0xffff, v21  }
0x183: {  	[tilespmem:v6+s19+$0x0] =	vst.idx.msk $0xffff, v1  }
0x184: {  	[tilespmem:v4+s19+$0x0] =	vst.idx.msk $0xffff, v2  }
0x185: {  	v0 =	vld [tilespmem:s30+$0x1C0];
	[tilespmem:v3+s19+$0x0] =	vst.idx.msk $0xffff, v13  }
0x186: {  	[tilespmem:v12+s19+$0x0] =	vst.idx.msk $0xffff, v5;
	v62 =	vld [tilespmem:s30+$0x1D0]  }
0x187: {  	s0 =	sshll.u32 s25, $0x10;
	v63 =	vld [tilespmem:s30+$0x1E0];
	[tilespmem:v18+s19+$0x0] =	vst.idx.msk $0xffff, v20  }
0x188: {  	p1 =	sne.s32 s25, $0xF;
	s28 =	sand.u32 $0x10000, s0;
	[tilespmem:v15+s19+$0x0] =	vst.idx.msk $0xffff, v22  }
.Ltmp4:
0x189: {  	s29 =	sshll.u32 s29, $0x11;
	s0 =	sor.u32 s9, s28;
	[tilespmem:v11+s19+$0x0] =	vst.idx.msk $0xffff, v17;
	(pc) =	sbr.rel @p1 .LBB2_8-.Ltmp4, $4  }
0x18a: {  	s0 =	sor.u32 s29, s0;
	[tilespmem:v9+s19+$0x0] =	vst.idx.msk $0xffff, v0  }
0x18b: {  	s0 =	sshrl.u32 s0, $0x3;
	[tilespmem:v8+s19+$0x0] =	vst.idx.msk $0xffff, v62  }
0x18c: {  	s0 =	sadd.s32 s3, s0;
	[tilespmem:v7+s19+$0x0] =	vst.idx.msk $0xffff, v63  }
0x18d: {  	[hbm4b:s0+s4] =	stream.linear.scatter [tilespmem:s19], [sflag:$0x3], $0x8000, $0x38;
	[tilespmem:$0x14400] =	vst v63  }
.Ltmp5:
0x18e: {  	(pc) =	sbr.rel .LBB2_9-.Ltmp5, $4  }
0x18f: {  	_ = 	snop  }
0x190: {  	_ =	swait.ge [sflag:s20], $0x2000  }
0x191: {  	[sflag:s20] =	ssyncset.done $0x0  }
0x192: {  	[sflag:s20] =	ssyncadd.s32 $0xFFFFE000  }
.LBB2_8:
0x193: {  	s0 =	sadd.s32 $0x2, s26  }
0x194: {  	s1 =	sshrl.u32 s0, $0x2  }
0x195: {  	s1 =	sadd.s32 s6, s1  }
0x196: {  	s0 =	sshll.u32 s0, $0xD;
	s1 =	sshll.u32 s1, $0xF  }
0x197: {  	s0 =	sand.u32 $0x4000, s0;
	s1 =	sadd.s32 s5, s1  }
0x198: {  	s0 =	sor.u32 s0, s1  }
0x199: {  	s0 =	sshrl.u32 s0, $0x3  }
.Ltmp6:
0x19a: {  	s0 =	sadd.s32 s2, s0;
	(pc) =	sbr.rel @p0 .LBB2_10-.Ltmp6, $4  }
0x19b: {  	[tilespmem:s16], [sflag:$0x1] =	stream.linear.gather [hbm4b:s0+s4], $0x2000, $0x38;
	[tilespmem:$0x14400] =	vst v63  }
0x19c: {  	_ =	swait.ge [sflag:s20], $0x2000  }
0x19d: {  	[sflag:s20] =	ssyncset.done $0x0  }
0x19e: {  	[sflag:s20] =	ssyncadd.s32 $0xFFFFE000  }
.LBB2_9:
0x19f: {  	_ =	swait.ge [sflag:s21], $0x8000  }
0x1a0: {  	[sflag:s21] =	ssyncset.done $0x0  }
0x1a1: {  	[sflag:s21] =	ssyncadd.s32 $0xFFFF8000  }
.LBB2_10:
0x1a2: {  	s0 =	simm.s32 $0x40  }
0x1a3: {  	v0 =	vld [tilespmem:s0+$0x30]  }
0x1a4: {  	v2 =	vld [tilespmem:s0+$0xFFFFFFD0]  }
0x1a5: {  	v3 =	vld [tilespmem:s0+$0xFFFFFFE0]  }
0x1a6: {  	v4 =	vld [tilespmem:s0+$0xFFFFFFF0]  }
0x1a7: {  	s31 =	simm.s32 $0x2600;
	v5 =	vld [tilespmem:s0+$0x0]  }
0x1a8: {  	v6 =	vld [tilespmem:s31+$0xFFFFFE70]  }
0x1a9: {  	v9 =	vld [tilespmem:s0+$0x10];
	v1 =	vshll.u32 v0, $0x3  }
0x1aa: {  	v10 =	vld [tilespmem:s0+$0x20];
	v0 =	vand.u32 $0x7F, v0;
	v1 =	vand.u32 $0xFFFFFC00, v1  }
0x1ab: {  	v1 =	vor.u32 v0, v1;
	v0 =	vld [tilespmem:s0+$0xFFFFFFC0]  }
0x1ac: {  	v11 =	vld [tilespmem:s31+$0xFFFFFE00]  }
0x1ad: {  	v13 =	vld [tilespmem:s31+$0xFFFFFE10];
	v7 =	vshll.u32 v2, $0x3  }
0x1ae: {  	v16 =	vld [tilespmem:s31+$0xFFFFFE20];
	v8 =	vshll.u32 v3, $0x3;
	v2 =	vand.u32 $0x7F, v2;
	v3 =	vand.u32 $0x7F, v3  }
0x1af: {  	v18 =	vld [tilespmem:s31+$0xFFFFFE30];
	v17 =	vshll.u32 v5, $0x3;
	v7 =	vand.u32 $0xFFFFFC00, v7;
	v12 =	vand.u32 $0xFFFFFC00, v8  }
0x1b0: {  	v19 =	vld [tilespmem:s31+$0xFFFFFE60];
	v8 =	vshll.u32 v4, $0x3;
	v2 =	vor.u32 v2, v7;
	[tilespmem:v1+s22+$0x0] =	vst.idx.msk $0xffff, v6;
	v6 =	vshll.u32 v0, $0x3  }
0x1b1: {  	s23 =	simm.s32 $0xC0;
	v15 =	vor.u32 $0x80, v1;
	v0 =	vand.u32 $0x7F, v0;
	v14 =	vld [tilespmem:s31+$0xFFFFFEF0];
	v6 =	vand.u32 $0xFFFFFC00, v6  }
0x1b2: {  	v22 =	vld [tilespmem:s23+$0x10];
	v5 =	vand.u32 $0x7F, v5;
	v7 =	vand.u32 $0xFFFFFC00, v8;
	v8 =	vor.u32 v0, v6  }
0x1b3: {  	v25 =	vld [tilespmem:s23+$0x20];
	v0 =	vand.u32 $0x7F, v4;
	v6 =	vor.u32 v3, v12;
	v3 =	vshll.u32 v9, $0x3  }
0x1b4: {  	v27 =	vld [tilespmem:s23+$0xFFFFFFC0];
	v4 =	vand.u32 $0xFFFFFC00, v17;
	v7 =	vor.u32 v0, v7;
	v17 =	vand.u32 $0xFFFFFC00, v3  }
0x1b5: {  	[tilespmem:v2+s22+$0x0] =	vst.idx.msk $0xffff, v13;
	v12 =	vld [tilespmem:s31+$0xFFFFFE40];
	v3 =	vor.u32 v5, v4;
	v4 =	vshll.u32 v10, $0x3;
	v5 =	vand.u32 $0x7F, v9  }
0x1b6: {  	v0 =	vld [tilespmem:s31+$0xFFFFFE50];
	[tilespmem:v15+s22+$0x0] =	vst.idx.msk $0xffff, v14;
	v14 =	vand.u32 $0xFFFFFC00, v4;
	v4 =	vor.u32 v5, v17  }
0x1b7: {  	v13 =	vor.u32 $0x100, v1;
	v10 =	vand.u32 $0x7F, v10;
	v9 =	vld [tilespmem:s31+$0xFFFFFF70];
	[tilespmem:v8+s22+$0x0] =	vst.idx.msk $0xffff, v11  }
0x1b8: {  	v11 =	vld [tilespmem:s31+$0xFFFFFE90];
	v5 =	vor.u32 v10, v14;
	[tilespmem:v6+s22+$0x0] =	vst.idx.msk $0xffff, v16  }
0x1b9: {  	v16 =	vor.u32 $0x80, v2;
	v10 =	vld [tilespmem:s31+$0xFFFFFE80];
	[tilespmem:v7+s22+$0x0] =	vst.idx.msk $0xffff, v18  }
0x1ba: {  	v14 =	vor.u32 $0x80, v8;
	v15 =	vld [tilespmem:s31+$0xFFFFFEA0];
	[tilespmem:v3+s22+$0x0] =	vst.idx.msk $0xffff, v12  }
0x1bb: {  	v12 =	vor.u32 $0x80, v6;
	v17 =	vld [tilespmem:s31+$0xFFFFFEB0];
	[tilespmem:v4+s22+$0x0] =	vst.idx.msk $0xffff, v0  }
0x1bc: {  	v18 =	vld [tilespmem:s31+$0xFFFFFEC0];
	[tilespmem:v13+s22+$0x0] =	vst.idx.msk $0xffff, v9;
	v13 =	vor.u32 $0x80, v7  }
0x1bd: {  	v20 =	vld [tilespmem:s31+$0xFFFFFED0];
	[tilespmem:v5+s22+$0x0] =	vst.idx.msk $0xffff, v19;
	v19 =	vor.u32 $0x80, v3  }
0x1be: {  	v9 =	vor.u32 $0x180, v1;
	[tilespmem:v16+s22+$0x0] =	vst.idx.msk $0xffff, v11;
	v0 =	vld [tilespmem:s31+$0xFFFFFFF0]  }
0x1bf: {  	[tilespmem:v14+s22+$0x0] =	vst.idx.msk $0xffff, v10;
	v10 =	vld [tilespmem:s31+$0xFFFFFEE0];
	v14 =	vor.u32 $0x80, v4  }
0x1c0: {  	v11 =	vor.u32 $0x80, v5;
	v16 =	vld [tilespmem:s31+$0xFFFFFF10];
	[tilespmem:v12+s22+$0x0] =	vst.idx.msk $0xffff, v15  }
0x1c1: {  	v12 =	vor.u32 $0x100, v8;
	v21 =	vld [tilespmem:s31+$0xFFFFFF00];
	[tilespmem:v13+s22+$0x0] =	vst.idx.msk $0xffff, v17  }
0x1c2: {  	v15 =	vld [tilespmem:s31+$0xFFFFFF20];
	v13 =	vor.u32 $0x100, v2;
	[tilespmem:v19+s22+$0x0] =	vst.idx.msk $0xffff, v18  }
0x1c3: {  	v18 =	vor.u32 $0x100, v6;
	[tilespmem:v9+s22+$0x0] =	vst.idx.msk $0xffff, v0;
	v17 =	vld [tilespmem:s31+$0xFFFFFF30]  }
0x1c4: {  	v19 =	vld [tilespmem:s31+$0xFFFFFF40];
	[tilespmem:v14+s22+$0x0] =	vst.idx.msk $0xffff, v20;
	v14 =	vor.u32 $0x100, v7  }
0x1c5: {  	[tilespmem:v11+s22+$0x0] =	vst.idx.msk $0xffff, v10;
	v10 =	vor.u32 $0x100, v3;
	v0 =	vld [tilespmem:s31+$0x70]  }
0x1c6: {  	v9 =	vor.u32 $0x200, v1;
	v20 =	vld [tilespmem:s31+$0xFFFFFF50];
	[tilespmem:v12+s22+$0x0] =	vst.idx.msk $0xffff, v21  }
0x1c7: {  	v11 =	vld [tilespmem:s31+$0xFFFFFF60];
	v12 =	vor.u32 $0x100, v4;
	[tilespmem:v13+s22+$0x0] =	vst.idx.msk $0xffff, v16  }
0x1c8: {  	v21 =	vld [tilespmem:s31+$0xFFFFFF80];
	v13 =	vor.u32 $0x100, v5;
	[tilespmem:v18+s22+$0x0] =	vst.idx.msk $0xffff, v15  }
0x1c9: {  	v15 =	vor.u32 $0x180, v8;
	v16 =	vld [tilespmem:s31+$0xFFFFFF90];
	[tilespmem:v14+s22+$0x0] =	vst.idx.msk $0xffff, v17  }
0x1ca: {  	v18 =	vld [tilespmem:s31+$0xFFFFFFA0];
	v14 =	vor.u32 $0x180, v2;
	[tilespmem:v10+s22+$0x0] =	vst.idx.msk $0xffff, v19  }
0x1cb: {  	v10 =	vor.u32 $0x180, v6;
	[tilespmem:v9+s22+$0x0] =	vst.idx.msk $0xffff, v0;
	v17 =	vld [tilespmem:s31+$0xFFFFFFB0]  }
0x1cc: {  	v9 =	vor.u32 $0x280, v1;
	[tilespmem:v12+s22+$0x0] =	vst.idx.msk $0xffff, v20;
	v0 =	vld [tilespmem:s31+$0xF0]  }
0x1cd: {  	v19 =	vld [tilespmem:s31+$0xFFFFFFC0];
	v12 =	vor.u32 $0x180, v7;
	[tilespmem:v13+s22+$0x0] =	vst.idx.msk $0xffff, v11  }
0x1ce: {  	v20 =	vld [tilespmem:s31+$0xFFFFFFD0];
	v11 =	vor.u32 $0x180, v3;
	[tilespmem:v15+s22+$0x0] =	vst.idx.msk $0xffff, v21  }
0x1cf: {  	v15 =	vor.u32 $0x180, v4;
	v13 =	vld [tilespmem:s31+$0xFFFFFFE0];
	[tilespmem:v14+s22+$0x0] =	vst.idx.msk $0xffff, v16  }
0x1d0: {  	v21 =	vld [tilespmem:s31+$0x0];
	v14 =	vor.u32 $0x180, v5;
	[tilespmem:v10+s22+$0x0] =	vst.idx.msk $0xffff, v18  }
0x1d1: {  	v10 =	vor.u32 $0x200, v8;
	v16 =	vld [tilespmem:s31+$0x10];
	[tilespmem:v9+s22+$0x0] =	vst.idx.msk $0xffff, v0  }
0x1d2: {  	[tilespmem:v12+s22+$0x0] =	vst.idx.msk $0xffff, v17;
	v9 =	vor.u32 $0x300, v1;
	v0 =	vld [tilespmem:s31+$0x170]  }
0x1d3: {  	v18 =	vld [tilespmem:s31+$0x20];
	v12 =	vor.u32 $0x200, v2;
	[tilespmem:v11+s22+$0x0] =	vst.idx.msk $0xffff, v19  }
0x1d4: {  	v17 =	vld [tilespmem:s31+$0x30];
	v11 =	vor.u32 $0x200, v7;
	[tilespmem:v15+s22+$0x0] =	vst.idx.msk $0xffff, v20  }
0x1d5: {  	v15 =	vor.u32 $0x200, v3;
	v19 =	vld [tilespmem:s31+$0x40];
	[tilespmem:v14+s22+$0x0] =	vst.idx.msk $0xffff, v13  }
0x1d6: {  	v20 =	vld [tilespmem:s31+$0x50];
	v13 =	vor.u32 $0x200, v4;
	[tilespmem:v10+s22+$0x0] =	vst.idx.msk $0xffff, v21  }
0x1d7: {  	v10 =	vld [tilespmem:s31+$0x60];
	[tilespmem:v9+s22+$0x0] =	vst.idx.msk $0xffff, v0;
	v0 =	vor.u32 $0x200, v6  }
0x1d8: {  	v14 =	vor.u32 $0x200, v5;
	v21 =	vld [tilespmem:s31+$0x80];
	[tilespmem:v12+s22+$0x0] =	vst.idx.msk $0xffff, v16  }
0x1d9: {  	v12 =	vor.u32 $0x280, v8;
	v16 =	vld [tilespmem:s31+$0x90];
	[tilespmem:v11+s22+$0x0] =	vst.idx.msk $0xffff, v17  }
0x1da: {  	v17 =	vld [tilespmem:s31+$0xB0];
	[tilespmem:v15+s22+$0x0] =	vst.idx.msk $0xffff, v19;
	v15 =	vor.u32 $0x280, v7  }
0x1db: {  	[tilespmem:v13+s22+$0x0] =	vst.idx.msk $0xffff, v20;
	v13 =	vor.u32 $0x280, v3;
	v19 =	vld [tilespmem:s31+$0xC0]  }
0x1dc: {  	v9 =	vld [tilespmem:s31+$0x1F0];
	[tilespmem:v0+s22+$0x0] =	vst.idx.msk $0xffff, v18;
	v0 =	vor.u32 $0x280, v2  }
0x1dd: {  	v11 =	vor.u32 $0x280, v6;
	[tilespmem:v14+s22+$0x0] =	vst.idx.msk $0xffff, v10;
	v18 =	vld [tilespmem:s31+$0xA0]  }
0x1de: {  	v20 =	vld [tilespmem:s31+$0xD0];
	v10 =	vor.u32 $0x280, v4;
	[tilespmem:v12+s22+$0x0] =	vst.idx.msk $0xffff, v21  }
0x1df: {  	v12 =	vld [tilespmem:s31+$0xE0];
	[tilespmem:v15+s22+$0x0] =	vst.idx.msk $0xffff, v17  }
0x1e0: {  	v21 =	vld [tilespmem:s31+$0x100];
	[tilespmem:v13+s22+$0x0] =	vst.idx.msk $0xffff, v19  }
0x1e1: {  	v17 =	vld [tilespmem:s31+$0x130];
	v13 =	vor.u32 $0x300, v7;
	[tilespmem:v0+s22+$0x0] =	vst.idx.msk $0xffff, v16  }
0x1e2: {  	v16 =	vld [tilespmem:s31+$0x110];
	[tilespmem:v11+s22+$0x0] =	vst.idx.msk $0xffff, v18;
	v11 =	vor.u32 $0x300, v2  }
0x1e3: {  	[tilespmem:v10+s22+$0x0] =	vst.idx.msk $0xffff, v20;
	v20 =	vld [tilespmem:s23+$0x0];
	v0 =	vor.u32 $0x300, v8  }
0x1e4: {  	v14 =	vor.u32 $0x280, v5;
	v19 =	vld [tilespmem:s31+$0x140]  }
0x1e5: {  	v10 =	vld [tilespmem:s31+$0x150]  }
0x1e6: {  	v1 =	vor.u32 $0x380, v1;
	v18 =	vld [tilespmem:s31+$0x120];
	[tilespmem:v13+s22+$0x0] =	vst.idx.msk $0xffff, v17  }
0x1e7: {  	v15 =	vor.u32 $0x300, v6;
	[tilespmem:v11+s22+$0x0] =	vst.idx.msk $0xffff, v16;
	v11 =	vld [tilespmem:s23+$0x30]  }
0x1e8: {  	v17 =	vld [tilespmem:s23+$0xFFFFFFE0];
	[tilespmem:v0+s22+$0x0] =	vst.idx.msk $0xffff, v21  }
0x1e9: {  	[tilespmem:v14+s22+$0x0] =	vst.idx.msk $0xffff, v12;
	v21 =	vor.u32 $0x300, v3;
	v12 =	vld [tilespmem:s31+$0x180]  }
0x1ea: {  	v24 =	vor.u32 $0x300, v4;
	v16 =	vld [tilespmem:s23+$0xFFFFFFD0]  }
0x1eb: {  	[tilespmem:v1+s22+$0x0] =	vst.idx.msk $0xffff, v9;
	v8 =	vor.u32 $0x380, v8;
	v14 =	vld [tilespmem:s31+$0x190]  }
0x1ec: {  	v1 =	vor.u32 $0x380, v2;
	[tilespmem:v15+s22+$0x0] =	vst.idx.msk $0xffff, v18;
	v18 =	vld [tilespmem:s23+$0xFFFFFFF0];
	v23 =	vshll.u32 v11, $0x3  }
0x1ed: {  	s30 =	simm.s32 $0x2A00;
	v2 =	vor.u32 $0x380, v6;
	v15 =	vld [tilespmem:s31+$0x1A0];
	v11 =	vand.u32 $0x7F, v11;
	v23 =	vand.u32 $0xFFFFFC00, v23  }
0x1ee: {  	v26 =	vld [tilespmem:s30+$0xFFFFFE70];
	[tilespmem:v21+s22+$0x0] =	vst.idx.msk $0xffff, v19;
	v21 =	vor.u32 $0x380, v7;
	v7 =	vshll.u32 v17, $0x3;
	v11 =	vor.u32 v11, v23  }
0x1ef: {  	[tilespmem:v24+s22+$0x0] =	vst.idx.msk $0xffff, v10;
	v0 =	vld [tilespmem:s31+$0x160];
	v6 =	vshll.u32 v16, $0x3;
	v9 =	vand.u32 $0x7F, v16;
	v23 =	vor.u32 $0x300, v5  }
0x1f0: {  	v13 =	vld [tilespmem:s31+$0x1B0];
	v10 =	vand.u32 $0xFFFFFC00, v7;
	v7 =	vshll.u32 v27, $0x3;
	[tilespmem:v8+s22+$0x0] =	vst.idx.msk $0xffff, v12;
	v6 =	vand.u32 $0xFFFFFC00, v6  }
0x1f1: {  	v19 =	vld [tilespmem:s30+$0xFFFFFE10];
	v12 =	vand.u32 $0xFFFFFC00, v7;
	[tilespmem:v1+s22+$0x0] =	vst.idx.msk $0xffff, v14;
	v7 =	vor.u32 v9, v6  }
0x1f2: {  	v28 =	vld [tilespmem:s30+$0xFFFFFE00];
	v8 =	vand.u32 $0x7F, v27;
	v16 =	vshll.u32 v18, $0x3;
	v14 =	vshll.u32 v20, $0x3;
	[tilespmem:v2+s22+$0x0] =	vst.idx.msk $0xffff, v15  }
0x1f3: {  	v54 =	vld [tilespmem:s30+$0xFFFFFE20];
	v1 =	vand.u32 $0xFFFFFC00, v16;
	v9 =	vor.u32 v8, v12;
	v2 =	vand.u32 $0x7F, v18;
	[tilespmem:v11+s22+$0x0] =	vst.idx.msk $0xffff, v26  }
0x1f4: {  	v29 =	vld [tilespmem:s30+$0xFFFFFE30];
	v14 =	vand.u32 $0xFFFFFC00, v14;
	v12 =	vor.u32 v2, v1;
	[tilespmem:v23+s22+$0x0] =	vst.idx.msk $0xffff, v0;
	v0 =	vand.u32 $0x7F, v17  }
0x1f5: {  	[tilespmem:v21+s22+$0x0] =	vst.idx.msk $0xffff, v13;
	v23 =	vor.u32 $0x80, v11;
	v17 =	vld [tilespmem:s30+$0xFFFFFEF0];
	v8 =	vor.u32 v0, v10;
	v10 =	vshll.u32 v22, $0x3  }
0x1f6: {  	v30 =	vld [tilespmem:s31+$0x1C0];
	v13 =	vand.u32 $0x7F, v20;
	[tilespmem:v7+s22+$0x0] =	vst.idx.msk $0xffff, v19;
	v19 =	vand.u32 $0x7F, v25;
	v15 =	vand.u32 $0xFFFFFC00, v10  }
0x1f7: {  	v6 =	vld [tilespmem:s30+$0xFFFFFE40];
	v10 =	vor.u32 v13, v14;
	v13 =	vshll.u32 v25, $0x3;
	v14 =	vand.u32 $0x7F, v22  }
0x1f8: {  	[tilespmem:v9+s22+$0x0] =	vst.idx.msk $0xffff, v28;
	v22 =	vor.u32 $0x80, v7;
	v13 =	vand.u32 $0xFFFFFC00, v13;
	v18 =	vor.u32 v14, v15;
	v14 =	vld [tilespmem:s30+$0xFFFFFE90]  }
0x1f9: {  	v0 =	vld [tilespmem:s30+$0xFFFFFE60];
	[tilespmem:v12+s22+$0x0] =	vst.idx.msk $0xffff, v29;
	v19 =	vor.u32 v19, v13  }
0x1fa: {  	v15 =	vor.u32 $0x80, v9;
	v13 =	vld [tilespmem:s30+$0xFFFFFE80];
	[tilespmem:v23+s22+$0x0] =	vst.idx.msk $0xffff, v17  }
0x1fb: {  	v20 =	vor.u32 $0x100, v11;
	[tilespmem:v8+s22+$0x0] =	vst.idx.msk $0xffff, v54;
	v17 =	vld [tilespmem:s30+$0xFFFFFF70]  }
0x1fc: {  	v16 =	vld [tilespmem:s30+$0xFFFFFE50];
	[tilespmem:v10+s22+$0x0] =	vst.idx.msk $0xffff, v6  }
0x1fd: {  	v21 =	vld [tilespmem:s30+$0xFFFFFEA0];
	v6 =	vor.u32 $0x80, v8;
	[tilespmem:v22+s22+$0x0] =	vst.idx.msk $0xffff, v14  }
0x1fe: {  	v55 =	vld [tilespmem:s30+$0xFFFFFEC0];
	[tilespmem:v19+s22+$0x0] =	vst.idx.msk $0xffff, v0;
	v0 =	vor.u32 $0x80, v10  }
0x1ff: {  	v14 =	vor.u32 $0x80, v19;
	[tilespmem:v15+s22+$0x0] =	vst.idx.msk $0xffff, v13;
	v13 =	vld [tilespmem:s30+$0xFFFFFEE0]  }
0x200: {  	v23 =	vld [tilespmem:s30+$0xFFFFFEB0];
	[tilespmem:v20+s22+$0x0] =	vst.idx.msk $0xffff, v17;
	v20 =	vor.u32 $0x80, v12  }
0x201: {  	[tilespmem:v18+s22+$0x0] =	vst.idx.msk $0xffff, v16;
	v17 =	vor.u32 $0x180, v11;
	v16 =	vld [tilespmem:s30+$0xFFFFFFF0]  }
0x202: {  	v56 =	vld [tilespmem:s30+$0xFFFFFED0];
	v15 =	vor.u32 $0x80, v18;
	[tilespmem:v6+s22+$0x0] =	vst.idx.msk $0xffff, v21  }
0x203: {  	v57 =	vld [tilespmem:s30+$0xFFFFFF00];
	v6 =	vor.u32 $0x100, v9;
	[tilespmem:v0+s22+$0x0] =	vst.idx.msk $0xffff, v55  }
0x204: {  	v21 =	vld [tilespmem:s30+$0xFFFFFF20];
	v0 =	vor.u32 $0x100, v8;
	[tilespmem:v14+s22+$0x0] =	vst.idx.msk $0xffff, v13  }
0x205: {  	v24 =	vld [tilespmem:s30+$0xFFFFFF40];
	v13 =	vor.u32 $0x100, v10;
	[tilespmem:v20+s22+$0x0] =	vst.idx.msk $0xffff, v23  }
0x206: {  	v22 =	vld [tilespmem:s30+$0xFFFFFF10];
	v20 =	vor.u32 $0x100, v7;
	[tilespmem:v17+s22+$0x0] =	vst.idx.msk $0xffff, v16  }
0x207: {  	[tilespmem:v15+s22+$0x0] =	vst.idx.msk $0xffff, v56;
	v17 =	vor.u32 $0x200, v11;
	v16 =	vld [tilespmem:s30+$0x70]  }
0x208: {  	v25 =	vld [tilespmem:s30+$0xFFFFFF50];
	v14 =	vor.u32 $0x100, v18;
	[tilespmem:v6+s22+$0x0] =	vst.idx.msk $0xffff, v57  }
0x209: {  	v15 =	vor.u32 $0x100, v12;
	v23 =	vld [tilespmem:s30+$0xFFFFFF30];
	[tilespmem:v0+s22+$0x0] =	vst.idx.msk $0xffff, v21  }
0x20a: {  	v26 =	vld [tilespmem:s30+$0xFFFFFF80];
	v0 =	vor.u32 $0x180, v9;
	[tilespmem:v13+s22+$0x0] =	vst.idx.msk $0xffff, v24  }
0x20b: {  	v21 =	vld [tilespmem:s30+$0xFFFFFFA0];
	v13 =	vor.u32 $0x180, v8;
	[tilespmem:v20+s22+$0x0] =	vst.idx.msk $0xffff, v22  }
0x20c: {  	v6 =	vld [tilespmem:s30+$0xFFFFFF60];
	v20 =	vor.u32 $0x100, v19;
	[tilespmem:v17+s22+$0x0] =	vst.idx.msk $0xffff, v16  }
0x20d: {  	[tilespmem:v14+s22+$0x0] =	vst.idx.msk $0xffff, v25;
	v17 =	vor.u32 $0x280, v11;
	v16 =	vld [tilespmem:s30+$0xF0]  }
0x20e: {  	v22 =	vld [tilespmem:s30+$0xFFFFFF90];
	[tilespmem:v15+s22+$0x0] =	vst.idx.msk $0xffff, v23;
	v15 =	vor.u32 $0x180, v7  }
0x20f: {  	v14 =	vor.u32 $0x180, v12;
	v23 =	vld [tilespmem:s30+$0xFFFFFFB0];
	[tilespmem:v0+s22+$0x0] =	vst.idx.msk $0xffff, v26  }
0x210: {  	v26 =	vld [tilespmem:s30+$0x0];
	[tilespmem:v13+s22+$0x0] =	vst.idx.msk $0xffff, v21;
	v13 =	vor.u32 $0x200, v9  }
0x211: {  	v25 =	vld [tilespmem:s30+$0xFFFFFFD0];
	[tilespmem:v20+s22+$0x0] =	vst.idx.msk $0xffff, v6;
	v20 =	vor.u32 $0x180, v18  }
0x212: {  	v24 =	vld [tilespmem:s30+$0xFFFFFFC0];
	[tilespmem:v17+s22+$0x0] =	vst.idx.msk $0xffff, v16;
	v17 =	vor.u32 $0x180, v10  }
0x213: {  	[tilespmem:v15+s22+$0x0] =	vst.idx.msk $0xffff, v22;
	v16 =	vor.u32 $0x300, v11;
	v6 =	vld [tilespmem:s30+$0x170]  }
0x214: {  	v0 =	vld [tilespmem:s30+$0xFFFFFFE0];
	v15 =	vor.u32 $0x180, v19;
	[tilespmem:v14+s22+$0x0] =	vst.idx.msk $0xffff, v23  }
0x215: {  	v22 =	vld [tilespmem:s30+$0x10];
	v14 =	vor.u32 $0x200, v7;
	[tilespmem:v13+s22+$0x0] =	vst.idx.msk $0xffff, v26  }
0x216: {  	v23 =	vld [tilespmem:s30+$0x30];
	[tilespmem:v20+s22+$0x0] =	vst.idx.msk $0xffff, v25;
	v20 =	vor.u32 $0x200, v12  }
0x217: {  	v59 =	vor.u32 $0x200, v18;
	v58 =	vld [tilespmem:s30+$0x50];
	[tilespmem:v17+s22+$0x0] =	vst.idx.msk $0xffff, v24  }
0x218: {  	v21 =	vld [tilespmem:s30+$0x20];
	[tilespmem:v16+s22+$0x0] =	vst.idx.msk $0xffff, v6;
	v16 =	vor.u32 $0x200, v8  }
0x219: {  	[tilespmem:v15+s22+$0x0] =	vst.idx.msk $0xffff, v0;
	v0 =	vor.u32 $0x200, v10;
	v17 =	vld [tilespmem:s30+$0x40]  }
0x21a: {  	v11 =	vor.u32 $0x380, v11;
	[tilespmem:v14+s22+$0x0] =	vst.idx.msk $0xffff, v22;
	v6 =	vld [tilespmem:s30+$0x1F0]  }
0x21b: {  	v15 =	vld [tilespmem:s30+$0x60];
	v14 =	vor.u32 $0x200, v19;
	[tilespmem:v20+s22+$0x0] =	vst.idx.msk $0xffff, v23  }
0x21c: {  	v2 =	vld [tilespmem:s31+$0x1D0];
	[tilespmem:v59+s22+$0x0] =	vst.idx.msk $0xffff, v58  }
0x21d: {  	v13 =	vld [tilespmem:s31+$0x1E0];
	[tilespmem:v16+s22+$0x0] =	vst.idx.msk $0xffff, v21  }
0x21e: {  	v21 =	vld [tilespmem:s30+$0xB0];
	[tilespmem:v0+s22+$0x0] =	vst.idx.msk $0xffff, v17;
	v0 =	vor.u32 $0x280, v12  }
0x21f: {  	v26 =	vld [tilespmem:s30+$0x80];
	[tilespmem:v11+s22+$0x0] =	vst.idx.msk $0xffff, v6;
	v6 =	vor.u32 $0x280, v9  }
0x220: {  	v24 =	vld [tilespmem:s30+$0xD0];
	[tilespmem:v14+s22+$0x0] =	vst.idx.msk $0xffff, v15;
	v14 =	vor.u32 $0x280, v18  }
0x221: {  	v23 =	vor.u32 $0x280, v10;
	v17 =	vld [tilespmem:s30+$0xC0]  }
0x222: {  	v22 =	vld [tilespmem:s30+$0x90];
	v11 =	vor.u32 $0x280, v7  }
0x223: {  	v20 =	vor.u32 $0x280, v8;
	v16 =	vld [tilespmem:s30+$0xA0];
	[tilespmem:v0+s22+$0x0] =	vst.idx.msk $0xffff, v21  }
0x224: {  	[tilespmem:v6+s22+$0x0] =	vst.idx.msk $0xffff, v26;
	v6 =	vld [tilespmem:s30+$0xE0]  }
0x225: {  	v15 =	vor.u32 $0x280, v19;
	[tilespmem:v14+s22+$0x0] =	vst.idx.msk $0xffff, v24;
	v62 =	vld [tilespmem:s30+$0x130]  }
0x226: {  	v28 =	vor.u32 $0x300, v12;
	[tilespmem:v23+s22+$0x0] =	vst.idx.msk $0xffff, v17;
	v23 =	vld [tilespmem:s30+$0x150]  }
0x227: {  	[tilespmem:v11+s22+$0x0] =	vst.idx.msk $0xffff, v22;
	v11 =	vor.u32 $0x300, v9;
	v60 =	vld [tilespmem:s30+$0x100]  }
0x228: {  	[tilespmem:v20+s22+$0x0] =	vst.idx.msk $0xffff, v16;
	v16 =	vor.u32 $0x300, v7;
	v22 =	vld [tilespmem:s30+$0x110]  }
0x229: {  	v0 =	vor.u32 $0x300, v8;
	v61 =	vld [tilespmem:s30+$0x120]  }
0x22a: {  	v63 =	vor.u32 $0x300, v10;
	v29 =	vld [tilespmem:s30+$0x140];
	[tilespmem:v15+s22+$0x0] =	vst.idx.msk $0xffff, v6  }
0x22b: {  	v14 =	vor.u32 $0x380, v8;
	[tilespmem:v28+s22+$0x0] =	vst.idx.msk $0xffff, v62;
	v21 =	vld [tilespmem:s30+$0x160]  }
0x22c: {  	v8 =	vor.u32 $0x380, v18;
	v17 =	vor.u32 $0x300, v19;
	v15 =	vor.u32 $0x300, v18;
	[tilespmem:v11+s22+$0x0] =	vst.idx.msk $0xffff, v60;
	v18 =	vld [tilespmem:s30+$0x1B0]  }
0x22d: {  	v6 =	vor.u32 $0x380, v3;
	v3 =	vor.u32 $0x380, v4;
	v4 =	vor.u32 $0x380, v5;
	[tilespmem:v16+s22+$0x0] =	vst.idx.msk $0xffff, v22;
	v5 =	vld [tilespmem:s30+$0x180]  }
0x22e: {  	v12 =	vor.u32 $0x380, v12;
	v11 =	vor.u32 $0x380, v9;
	[tilespmem:v0+s22+$0x0] =	vst.idx.msk $0xffff, v61;
	v20 =	vld [tilespmem:s30+$0x190]  }
0x22f: {  	s1 =	simm.s32 $0x140;
	s0 =	simm.s32 $0x8;
	s31 =	simm.s32 $0x2A00;
	v16 =	vor.u32 $0x380, v7;
	v9 =	vor.u32 $0x380, v10;
	v7 =	vor.u32 $0x380, v19;
	[tilespmem:v63+s22+$0x0] =	vst.idx.msk $0xffff, v29;
	v22 =	vld [tilespmem:s30+$0x1A0]  }
.LBB2_11:
0x230: {  	v0 =	vld [tilespmem:s1+$0x30]  }
0x231: {  	v10 =	vld [tilespmem:s1+$0xFFFFFFD0];
	[tilespmem:v15+s22+$0x0] =	vst.idx.msk $0xffff, v23  }
0x232: {  	[tilespmem:v17+s22+$0x0] =	vst.idx.msk $0xffff, v21;
	v15 =	vld [tilespmem:s1+$0xFFFFFFE0]  }
0x233: {  	[tilespmem:v11+s22+$0x0] =	vst.idx.msk $0xffff, v5;
	v11 =	vld [tilespmem:s1+$0xFFFFFFF0]  }
0x234: {  	[tilespmem:v16+s22+$0x0] =	vst.idx.msk $0xffff, v20;
	v16 =	vld [tilespmem:s1+$0x0]  }
0x235: {  	[tilespmem:v14+s22+$0x0] =	vst.idx.msk $0xffff, v22;
	v14 =	vld [tilespmem:s1+$0x10]  }
0x236: {  	s30 =	sadd.s32 $0x400, s30;
	[tilespmem:v12+s22+$0x0] =	vst.idx.msk $0xffff, v18;
	v17 =	vld [tilespmem:s1+$0x20]  }
0x237: {  	[tilespmem:v4+s22+$0x0] =	vst.idx.msk $0xffff, v13;
	v4 =	vmov v7;
	v7 =	vld [tilespmem:s30+$0xFFFFFE00]  }
0x238: {  	[tilespmem:v6+s22+$0x0] =	vst.idx.msk $0xffff, v30;
	v5 =	vshll.u32 v0, $0x3;
	v12 =	vshll.u32 v10, $0x3;
	v0 =	vand.u32 $0x7F, v0;
	v19 =	vld [tilespmem:s30+$0xFFFFFE20]  }
0x239: {  	[tilespmem:v3+s22+$0x0] =	vst.idx.msk $0xffff, v2;
	v2 =	vand.u32 $0x7F, v10;
	v5 =	vand.u32 $0xFFFFFC00, v5;
	v1 =	vand.u32 $0xFFFFFC00, v12;
	v12 =	vld [tilespmem:s30+$0xFFFFFE70]  }
0x23a: {  	v6 =	vmovc v9;
	v5 =	vor.u32 v0, v5;
	v0 =	vld [tilespmem:s1+$0xFFFFFFC0];
	v28 =	vor.u32 v2, v1;
	v9 =	vshll.u32 v15, $0x3  }
0x23b: {  	v1 =	vld [tilespmem:s31+$0x1C0];
	v10 =	vand.u32 $0x7F, v15;
	v13 =	vshll.u32 v16, $0x3;
	v16 =	vand.u32 $0x7F, v16  }
0x23c: {  	v3 =	vmovc v8;
	v15 =	vld [tilespmem:s30+$0xFFFFFE10];
	v8 =	vand.u32 $0xFFFFFC00, v9;
	v9 =	vshll.u32 v11, $0x3;
	v11 =	vand.u32 $0x7F, v11  }
0x23d: {  	v21 =	vld [tilespmem:s30+$0xFFFFFE30];
	v13 =	vand.u32 $0xFFFFFC00, v13;
	v18 =	vshll.u32 v14, $0x3;
	v8 =	vor.u32 v10, v8  }
0x23e: {  	v20 =	vshll.u32 v17, $0x3;
	v9 =	vand.u32 $0xFFFFFC00, v9;
	v10 =	vld [tilespmem:s30+$0xFFFFFE40];
	v13 =	vor.u32 v16, v13  }
0x23f: {  	v2 =	vld [tilespmem:s31+$0x1D0];
	v14 =	vand.u32 $0x7F, v14;
	v18 =	vand.u32 $0xFFFFFC00, v18;
	[tilespmem:v5+s22+$0x0] =	vst.idx.msk $0xffff, v12;
	v9 =	vor.u32 v11, v9  }
0x240: {  	v17 =	vand.u32 $0x7F, v17;
	v20 =	vand.u32 $0xFFFFFC00, v20;
	v11 =	vld [tilespmem:s30+$0xFFFFFE50];
	v29 =	vor.u32 v14, v18;
	[tilespmem:$0x1FFF0] =	vst v1  }
0x241: {  	v12 =	vand.u32 $0x7F, v0;
	v0 =	vshll.u32 v0, $0x3;
	v14 =	vld [tilespmem:s30+$0xFFFFFE60];
	v30 =	vor.u32 v17, v20;
	[tilespmem:v28+s22+$0x0] =	vst.idx.msk $0xffff, v15  }
0x242: {  	v23 =	vor.u32 $0x80, v5;
	v22 =	vld [tilespmem:s30+$0xFFFFFEF0];
	v0 =	vand.u32 $0xFFFFFC00, v0;
	[tilespmem:v8+s22+$0x0] =	vst.idx.msk $0xffff, v19  }
0x243: {  	v0 =	vor.u32 v12, v0;
	[tilespmem:v13+s22+$0x0] =	vst.idx.msk $0xffff, v10;
	v19 =	vld [tilespmem:s30+$0xFFFFFEA0]  }
0x244: {  	v17 =	vor.u32 $0x80, v8;
	[tilespmem:v9+s22+$0x0] =	vst.idx.msk $0xffff, v21;
	v53 =	vld [tilespmem:s30+$0xFFFFFEC0]  }
0x245: {  	v32 =	vor.u32 $0x80, v13;
	[tilespmem:v29+s22+$0x0] =	vst.idx.msk $0xffff, v11;
	v46 =	vld [tilespmem:s30+$0xFFFFFEB0]  }
0x246: {  	v36 =	vor.u32 $0x100, v28;
	v43 =	vor.u32 $0x180, v28;
	v31 =	vor.u32 $0x80, v9;
	[tilespmem:v30+s22+$0x0] =	vst.idx.msk $0xffff, v14;
	v57 =	vld [tilespmem:s30+$0xFFFFFED0]  }
0x247: {  	v51 =	vor.u32 $0x200, v28;
	v56 =	vor.u32 $0x180, v5;
	v34 =	vor.u32 $0x80, v30;
	[tilespmem:v23+s22+$0x0] =	vst.idx.msk $0xffff, v22;
	v61 =	vld [tilespmem:s30+$0xFFFFFEE0]  }
0x248: {  	v60 =	vor.u32 $0x280, v28;
	v16 =	vor.u32 $0x80, v28;
	v18 =	vor.u32 $0x100, v5;
	v15 =	vld [tilespmem:s30+$0xFFFFFF70];
	[tilespmem:v0+s22+$0x0] =	vst.idx.msk $0xffff, v7  }
0x249: {  	v37 =	vor.u32 $0x100, v8;
	v39 =	vor.u32 $0x100, v13;
	v44 =	vor.u32 $0x180, v8;
	v7 =	vld [tilespmem:s30+$0xFFFFFE90];
	[tilespmem:v17+s22+$0x0] =	vst.idx.msk $0xffff, v19  }
0x24a: {  	v52 =	vor.u32 $0x200, v8;
	v26 =	vor.u32 $0x280, v8;
	v33 =	vor.u32 $0x80, v29;
	v20 =	vld [tilespmem:s30+$0xFFFFFE80];
	[tilespmem:v32+s22+$0x0] =	vst.idx.msk $0xffff, v53  }
0x24b: {  	v41 =	vor.u32 $0x100, v29;
	v48 =	vor.u32 $0x180, v29;
	v12 =	vor.u32 $0x80, v0;
	v1 =	vld [tilespmem:s30+$0xFFFFFF20];
	[tilespmem:v31+s22+$0x0] =	vst.idx.msk $0xffff, v46  }
0x24c: {  	v58 =	vor.u32 $0x200, v29;
	v24 =	vor.u32 $0x280, v29;
	v14 =	vor.u32 $0x380, v8;
	v32 =	vld [tilespmem:s30+$0xFFFFFF40];
	[tilespmem:v34+s22+$0x0] =	vst.idx.msk $0xffff, v61  }
0x24d: {  	[tilespmem:v18+s22+$0x0] =	vst.idx.msk $0xffff, v15;
	v18 =	vor.u32 $0x300, v8;
	v15 =	vor.u32 $0x300, v29;
	v8 =	vor.u32 $0x380, v29;
	v29 =	vld [tilespmem:s30+$0xFFFFFF60]  }
0x24e: {  	v47 =	vor.u32 $0x180, v13;
	v55 =	vor.u32 $0x200, v13;
	v42 =	vor.u32 $0x100, v30;
	[tilespmem:v16+s22+$0x0] =	vst.idx.msk $0xffff, v7;
	v11 =	vld [tilespmem:s30+$0xFFFFFFF0]  }
0x24f: {  	v27 =	vor.u32 $0x280, v13;
	v38 =	vor.u32 $0x100, v9;
	v45 =	vor.u32 $0x180, v9;
	[tilespmem:v33+s22+$0x0] =	vst.idx.msk $0xffff, v57;
	v63 =	vld [tilespmem:s30+$0xFFFFFF10]  }
0x250: {  	v54 =	vor.u32 $0x200, v9;
	v16 =	vor.u32 $0x380, v28;
	[tilespmem:v12+s22+$0x0] =	vst.idx.msk $0xffff, v20;
	v20 =	vor.u32 $0x300, v28;
	v28 =	vld [tilespmem:s30+$0xFFFFFF30]  }
0x251: {  	v35 =	vor.u32 $0x100, v0;
	v10 =	vor.u32 $0x300, v13;
	v23 =	vor.u32 $0x280, v9;
	v62 =	vld [tilespmem:s30+$0xFFFFFF00];
	[tilespmem:v37+s22+$0x0] =	vst.idx.msk $0xffff, v1  }
0x252: {  	v19 =	vor.u32 $0x300, v9;
	v12 =	vor.u32 $0x380, v9;
	v9 =	vor.u32 $0x380, v13;
	v13 =	vld [tilespmem:s30+$0xFFFFFF50];
	[tilespmem:v39+s22+$0x0] =	vst.idx.msk $0xffff, v32  }
0x253: {  	v1 =	vld [tilespmem:s30+$0xFFFFFFA0];
	[tilespmem:v42+s22+$0x0] =	vst.idx.msk $0xffff, v29  }
0x254: {  	v40 =	vor.u32 $0x180, v0;
	v50 =	vor.u32 $0x200, v0;
	v25 =	vor.u32 $0x280, v0;
	v32 =	vld [tilespmem:s30+$0xFFFFFFC0];
	[tilespmem:v56+s22+$0x0] =	vst.idx.msk $0xffff, v11  }
0x255: {  	v21 =	vor.u32 $0x300, v0;
	v31 =	vor.u32 $0x200, v5;
	v11 =	vor.u32 $0x380, v0;
	[tilespmem:v36+s22+$0x0] =	vst.idx.msk $0xffff, v63;
	v0 =	vld [tilespmem:s30+$0x70]  }
0x256: {  	v49 =	vor.u32 $0x180, v30;
	v59 =	vor.u32 $0x200, v30;
	[tilespmem:v35+s22+$0x0] =	vst.idx.msk $0xffff, v62;
	v57 =	vld [tilespmem:s30+$0xFFFFFF90]  }
0x257: {  	v22 =	vor.u32 $0x280, v30;
	v17 =	vor.u32 $0x300, v30;
	v7 =	vor.u32 $0x380, v30;
	[tilespmem:v38+s22+$0x0] =	vst.idx.msk $0xffff, v28;
	v30 =	vld [tilespmem:s30+$0xFFFFFF80]  }
0x258: {  	[tilespmem:v41+s22+$0x0] =	vst.idx.msk $0xffff, v13;
	v28 =	vld [tilespmem:s30+$0xFFFFFFB0]  }
0x259: {  	v13 =	vld [tilespmem:s30+$0xFFFFFFD0];
	[tilespmem:v44+s22+$0x0] =	vst.idx.msk $0xffff, v1  }
0x25a: {  	v1 =	vld [tilespmem:s30+$0x20];
	[tilespmem:v31+s22+$0x0] =	vst.idx.msk $0xffff, v0  }
0x25b: {  	v31 =	vor.u32 $0x280, v5;
	[tilespmem:v43+s22+$0x0] =	vst.idx.msk $0xffff, v57;
	v0 =	vld [tilespmem:s30+$0xF0]  }
0x25c: {  	[tilespmem:v40+s22+$0x0] =	vst.idx.msk $0xffff, v30;
	v30 =	vld [tilespmem:s30+$0xFFFFFFE0]  }
0x25d: {  	[tilespmem:v45+s22+$0x0] =	vst.idx.msk $0xffff, v28;
	v33 =	vld [tilespmem:s30+$0x10]  }
0x25e: {  	[tilespmem:v48+s22+$0x0] =	vst.idx.msk $0xffff, v13;
	v28 =	vld [tilespmem:s30+$0x30]  }
0x25f: {  	v61 =	vld [tilespmem:s30+$0x50]  }
0x260: {  	[tilespmem:v31+s22+$0x0] =	vst.idx.msk $0xffff, v0;
	v31 =	vld [tilespmem:s30+$0x0]  }
0x261: {  	v29 =	vor.u32 $0x300, v5;
	[tilespmem:v49+s22+$0x0] =	vst.idx.msk $0xffff, v30;
	v0 =	vld [tilespmem:s30+$0x170]  }
0x262: {  	[tilespmem:v51+s22+$0x0] =	vst.idx.msk $0xffff, v33;
	v30 =	vld [tilespmem:s30+$0x60]  }
0x263: {  	[tilespmem:v47+s22+$0x0] =	vst.idx.msk $0xffff, v32;
	v33 =	vld [tilespmem:s30+$0x90]  }
0x264: {  	[tilespmem:v54+s22+$0x0] =	vst.idx.msk $0xffff, v28;
	v13 =	vld [tilespmem:s31+$0x1E0]  }
0x265: {  	[tilespmem:v52+s22+$0x0] =	vst.idx.msk $0xffff, v1;
	v1 =	vld [tilespmem:s30+$0xB0]  }
0x266: {  	[tilespmem:v29+s22+$0x0] =	vst.idx.msk $0xffff, v0;
	v29 =	vld [tilespmem:s30+$0x40]  }
0x267: {  	v5 =	vor.u32 $0x380, v5;
	[tilespmem:v58+s22+$0x0] =	vst.idx.msk $0xffff, v61;
	v0 =	vld [tilespmem:s30+$0x1F0]  }
0x268: {  	v28 =	vld [tilespmem:s30+$0xD0];
	[tilespmem:v50+s22+$0x0] =	vst.idx.msk $0xffff, v31  }
0x269: {  	v31 =	vld [tilespmem:s30+$0x80];
	[tilespmem:v59+s22+$0x0] =	vst.idx.msk $0xffff, v30  }
0x26a: {  	[tilespmem:v60+s22+$0x0] =	vst.idx.msk $0xffff, v33;
	v62 =	vld [tilespmem:s30+$0xE0]  }
0x26b: {  	v30 =	vld [tilespmem:s30+$0x110];
	[tilespmem:v55+s22+$0x0] =	vst.idx.msk $0xffff, v29  }
0x26c: {  	[tilespmem:v5+s22+$0x0] =	vst.idx.msk $0xffff, v0;
	v0 =	vld [tilespmem:s30+$0xA0]  }
0x26d: {  	[tilespmem:v23+s22+$0x0] =	vst.idx.msk $0xffff, v1;
	v5 =	vld [tilespmem:s30+$0xC0]  }
0x26e: {  	[tilespmem:v24+s22+$0x0] =	vst.idx.msk $0xffff, v28;
	v1 =	vld [tilespmem:s30+$0x130]  }
0x26f: {  	v23 =	vld [tilespmem:s30+$0x150];
	[tilespmem:v25+s22+$0x0] =	vst.idx.msk $0xffff, v31  }
0x270: {  	v29 =	vld [tilespmem:s30+$0x100];
	[tilespmem:v20+s22+$0x0] =	vst.idx.msk $0xffff, v30  }
0x271: {  	v30 =	vld [tilespmem:$0x1FFF0];
	[tilespmem:v26+s22+$0x0] =	vst.idx.msk $0xffff, v0  }
0x272: {  	s0 =	sadd.s32 $0x8, s0;
	[tilespmem:v27+s22+$0x0] =	vst.idx.msk $0xffff, v5;
	v0 =	vld [tilespmem:s30+$0x120]  }
0x273: {  	p0 =	slt.u32 s0, $0x38;
	v63 =	vld [tilespmem:s30+$0x140]  }
.Ltmp7:
0x274: {  	[tilespmem:v22+s22+$0x0] =	vst.idx.msk $0xffff, v62;
	v20 =	vld [tilespmem:s30+$0x190];
	(pc) =	sbr.rel @p0 .LBB2_11-.Ltmp7, $4  }
0x275: {  	[tilespmem:v21+s22+$0x0] =	vst.idx.msk $0xffff, v29;
	v21 =	vld [tilespmem:s30+$0x160]  }
0x276: {  	[tilespmem:v19+s22+$0x0] =	vst.idx.msk $0xffff, v1;
	v5 =	vld [tilespmem:s30+$0x180]  }
0x277: {  	[tilespmem:v18+s22+$0x0] =	vst.idx.msk $0xffff, v0;
	v18 =	vld [tilespmem:s30+$0x1B0]  }
0x278: {  	s1 =	sadd.s32 $0x80, s1;
	s31 =	smov.u32 s30;
	[tilespmem:v10+s22+$0x0] =	vst.idx.msk $0xffff, v63;
	v22 =	vld [tilespmem:s30+$0x1A0]  }
0x279: {  	_ =	sdelay $0x3  }
0x27a: {  	[tilespmem:v15+s22+$0x0] =	vst.idx.msk $0xffff, v23  }
0x27b: {  	[tilespmem:v16+s22+$0x0] =	vst.idx.msk $0xffff, v20  }
0x27c: {  	[tilespmem:v6+s22+$0x0] =	vst.idx.msk $0xffff, v30  }
0x27d: {  	[tilespmem:v3+s22+$0x0] =	vst.idx.msk $0xffff, v2  }
0x27e: {  	v0 =	vld [tilespmem:s31+$0x1C0];
	[tilespmem:v4+s22+$0x0] =	vst.idx.msk $0xffff, v13  }
0x27f: {  	[tilespmem:v17+s22+$0x0] =	vst.idx.msk $0xffff, v21;
	v1 =	vld [tilespmem:s31+$0x1D0]  }
0x280: {  	[tilespmem:v11+s22+$0x0] =	vst.idx.msk $0xffff, v5;
	v63 =	vld [tilespmem:s31+$0x1E0]  }
0x281: {  	p0 =	seq.s32 s25, $0xF;
	[tilespmem:v12+s22+$0x0] =	vst.idx.msk $0xffff, v18  }
.Ltmp8:
0x282: {  	s0 =	sor.u32 s11, s28;
	[tilespmem:v14+s22+$0x0] =	vst.idx.msk $0xffff, v22;
	(pc) =	sbr.rel @p0 .LBB2_14-.Ltmp8, $4  }
0x283: {  	s0 =	sor.u32 s29, s0;
	[tilespmem:v9+s22+$0x0] =	vst.idx.msk $0xffff, v0  }
0x284: {  	s0 =	sshrl.u32 s0, $0x3;
	[tilespmem:v8+s22+$0x0] =	vst.idx.msk $0xffff, v1  }
0x285: {  	s0 =	sadd.s32 s3, s0;
	[tilespmem:v7+s22+$0x0] =	vst.idx.msk $0xffff, v63  }
0x286: {  	[hbm4b:s0+s4] =	stream.linear.scatter [tilespmem:s22], [sflag:$0x4], $0x8000, $0x38;
	[tilespmem:$0x14400] =	vst v63  }
0x287: {  	s0 =	sadd.s32 $0x3, s26  }
0x288: {  	s1 =	sshrl.u32 s0, $0x2  }
0x289: {  	s1 =	sadd.s32 s6, s1  }
0x28a: {  	s0 =	sshll.u32 s0, $0xD;
	s1 =	sshll.u32 s1, $0xF  }
.Ltmp9:
0x28b: {  	s0 =	sand.u32 $0x6000, s0;
	s1 =	sadd.s32 s5, s1;
	(pc) =	sbr.rel .LBB2_4-.Ltmp9, $4  }
0x28c: {  	s0 =	sor.u32 s0, s1  }
0x28d: {  	s0 =	sshrl.u32 s0, $0x3  }
0x28e: {  	s25 =	sadd.s32 $0x1, s25;
	s0 =	sadd.s32 s2, s0  }
0x28f: {  	[tilespmem:s17], [sflag:$0x2] =	stream.linear.gather [hbm4b:s0+s4], $0x2000, $0x38;
	[tilespmem:$0x14400] =	vst v63  }
.LBB2_15:
0x290: {  	_ =	sfence.sel $0x180000  }
0x291: {  	[bflag:$0x0] =	sbarrier.arrive $0xFFFF  }
0x292: {  	_ =	strace $0x90000047  }
0x293: {  	s0 =	stileid.u32;
	[bflag:$0x2] =	sbarrier.arrive $0xFFFF  }
0x294: {  	p0 =	sne.s32 s0, $0x0;
	s0 =	rddreg [dreg:$0x3]  }
0x295: {  	s0 =	sadd.s32 @!p0 $0x100000, s0  }
0x296: {  	[sflag:s0] =	ssyncadd.tile.s32 @!p0 $0x1;
	_ =	shalt  }
.Lfunc_end2:
_tile_overlayer_lowered:
.L_overlay_start_2:
0x297: {  	(tag) =	ssettag $0x2  }
0x298: {  	s0 =	rddreg [dreg:$0x0];
	s2 =	stileid.u32  }
0x299: {  	s1 =	rddreg [dreg:$0x1];
	p0 =	sne.s32 s2, $0x0  }
0x29a: {  	s3 =	rddreg [dreg:$0x2];
	[bflag:$0x3] =	sbarrier.arrive $0xFFFF;
	s2 =	simm.s32 @!p0 $0x1C05  }
0x29b: {  	[timem:s3], [sflag:s2] =	dma.local @!p0 [hbm:s0], s1  }
0x29c: {  	s0 =	simm.s32 @!p0 $0x5  }
0x29d: {  	_ =	swait.ge @!p0 [sflag:s0], s1  }
0x29e: {  	s1 =	ssub.s32 @!p0 $0x0, s1;
	[sflag:s0] =	ssyncset.done @!p0 $0x0  }
0x29f: {  	[sflag:s0] =	ssyncadd.s32 @!p0 s1  }
0x2a0: {  	[bflag:$0x3] =	sbarrier.arrive $0xFFFF  }
0x2a1: {  	_ =	shalt  }

</sc_bundles>
